<compile_context>
chip_gen: v7x
topology: tpu7x:2x2x1
jax: 0.10.2.dev20260603
libtpu: 0.0.44.dev20260713+nightly
codegen_flags: <defaults>
</compile_context>

<pallas_src>
import dataclasses
import functools

import jax
import jax.numpy as jnp
from jax import lax
from jax.experimental import pallas as pl
from jax.experimental.pallas import tpu as pltpu
from jax.experimental.pallas import tpu_sc as plsc

B = 4096
D = 64
NT = 1000000
NC, NS = 2, 16
NW = NC * NS
BU = B // NW
BI = 2 * B // NW
BM = 256
TC_C = 16384
N_STEPS = (NT + TC_C - 1) // TC_C
NP = N_STEPS * (TC_C // 4)
GW = 128
L = 16


def _t_body(t_ref, eye_ref, out_ref):
    a = t_ref[...]
    dims = (((0,), (0,)), ((), ()))
    h = TC_C // 2
    tl = jax.lax.dot_general(
        a[:, :h], eye_ref[...], dims, preferred_element_type=jnp.float32
    )
    tr = jax.lax.dot_general(
        a[:, h:], eye_ref[...], dims, preferred_element_type=jnp.float32
    )
    t16 = jnp.concatenate(
        [tl.astype(jnp.bfloat16), tr.astype(jnp.bfloat16)], axis=1
    )
    out_ref[...] = pltpu.bitcast(t16, jnp.int32)


def _stage_table(table_t, eye):
    return pl.pallas_call(
        _t_body,
        grid=(N_STEPS,),
        compiler_params=pltpu.CompilerParams(
            dimension_semantics=("parallel",)
        ),
        in_specs=[
            pl.BlockSpec((D, TC_C), lambda i: (0, i)),
            pl.BlockSpec((D, D), lambda i: (0, 0)),
        ],
        out_specs=pl.BlockSpec((TC_C // 4, 128), lambda i: (i, 0)),
        out_shape=jax.ShapeDtypeStruct((NP, 128), jnp.int32),
    )(table_t, eye)


def _sc_gather(st_user, st_item, user_id, item_ids2):
    mesh = plsc.VectorSubcoreMesh(core_axis_name="c", subcore_axis_name="s")
    cp = pltpu.CompilerParams()
    if "use_tc_tiling_on_sc" in pltpu.CompilerParams.__dataclass_fields__:
        cp = dataclasses.replace(cp, use_tc_tiling_on_sc=True)

    @functools.partial(
        pl.kernel,
        mesh=mesh,
        compiler_params=cp,
        out_type=(
            jax.ShapeDtypeStruct((B, 128), jnp.int32),
            jax.ShapeDtypeStruct((2 * B, 128), jnp.int32),
        ),
        scratch_types=[
            pltpu.VMEM((BU,), jnp.int32),
            pltpu.VMEM((BI,), jnp.int32),
            pltpu.VMEM((BU, 128), jnp.int32),
            pltpu.VMEM((BI, 128), jnp.int32),
            pltpu.SemaphoreType.DMA,
            pltpu.SemaphoreType.DMA,
        ],
    )
    def gather_kernel(
        ut_hbm, it_hbm, uid_hbm, iid_hbm, uo_hbm, io_hbm,
        uidx_v, iidx_v, urows_v, irows_v, sem_u, sem_i,
    ):
        wid = lax.axis_index("s") * NC + lax.axis_index("c")
        ubase = wid * BU
        ibase = wid * BI
        pltpu.sync_copy(uid_hbm.at[pl.ds(ubase, BU)], uidx_v)
        pltpu.sync_copy(iid_hbm.at[pl.ds(ibase, BI)], iidx_v)

        def to_staged(g):
            blk = lax.shift_right_logical(g, 14)
            oh = lax.bitwise_and(g, jnp.int32(TC_C // 2 - 1))
            return lax.shift_left(blk, 12) + lax.shift_right_logical(oh, 1)

        @pl.loop(0, BU // L)
        def _(j):
            s = pl.ds(j * L, L)
            uidx_v[s] = to_staged(uidx_v[s])

        @pl.loop(0, BI // L)
        def _(j):
            s = pl.ds(j * L, L)
            iidx_v[s] = to_staged(iidx_v[s])

        for c in range(BU // GW):
            pltpu.async_copy(
                ut_hbm.at[uidx_v.at[pl.ds(c * GW, GW)]],
                urows_v.at[pl.ds(c * GW, GW)],
                sem_u,
            )
        for c in range(BI // GW):
            pltpu.async_copy(
                it_hbm.at[iidx_v.at[pl.ds(c * GW, GW)]],
                irows_v.at[pl.ds(c * GW, GW)],
                sem_i,
            )
        pltpu.make_async_copy(
            ut_hbm.at[pl.ds(0, BU)], urows_v, sem_u
        ).wait()
        pltpu.sync_copy(urows_v, uo_hbm.at[pl.ds(ubase, BU)])
        pltpu.make_async_copy(
            it_hbm.at[pl.ds(0, BI)], irows_v, sem_i
        ).wait()
        pltpu.sync_copy(irows_v, io_hbm.at[pl.ds(ibase, BI)])

    return gather_kernel(st_user, st_item, user_id, item_ids2)


def _pick(rows_i32, ids):
    lo = pltpu.bitcast(lax.shift_left(rows_i32, 16), jnp.float32)
    hi = pltpu.bitcast(
        lax.bitwise_and(rows_i32, jnp.int32(-65536)), jnp.float32
    )
    a_bit = (ids & 1) != 0
    s_bit = (ids & (TC_C // 2)) != 0
    xa = jnp.where(a_bit, hi, lo)
    xs = jnp.where(s_bit, xa[:, D:], xa[:, :D])
    return xs.astype(jnp.bfloat16)


def _mm_body(u_ref, p_ref, n_ref, uid_ref, pid_ref, nid_ref, pos_ref, neg_ref,
             p_sc, n_sc):
    @pl.when(pl.program_id(0) == 0)
    def _():
        p_sc[...] = _pick(p_ref[...], pid_ref[...])
        n_sc[...] = _pick(n_ref[...], nid_ref[...])

    u = _pick(u_ref[...], uid_ref[...])
    dims = (((1,), (1,)), ((), ()))
    pos_ref[...] = jax.lax.dot_general(
        u, p_sc[...], dims, preferred_element_type=jnp.float32
    )
    neg_ref[...] = jax.lax.dot_general(
        u, n_sc[...], dims, preferred_element_type=jnp.float32
    )


def kernel(user_id, item_id, neg_item, user_table, item_table, training=False):
    eye = jnp.eye(D, dtype=jnp.float32)
    st_user = _stage_table(user_table.T, eye)
    st_item = _stage_table(item_table.T, eye)
    item_ids2 = jnp.concatenate([item_id, neg_item])
    u_rows, i_rows = _sc_gather(st_user, st_item, user_id, item_ids2)
    uid2 = user_id.reshape(B, 1)
    pid2 = item_id.reshape(B, 1)
    nid2 = neg_item.reshape(B, 1)
    pos, neg = pl.pallas_call(
        _mm_body,
        grid=(B // BM,),
        compiler_params=pltpu.CompilerParams(
            dimension_semantics=("parallel",)
        ),
        in_specs=[
            pl.BlockSpec((BM, 128), lambda i: (i, 0)),
            pl.BlockSpec((B, 128), lambda i: (0, 0)),
            pl.BlockSpec((B, 128), lambda i: (1, 0)),
            pl.BlockSpec((BM, 1), lambda i: (i, 0)),
            pl.BlockSpec((B, 1), lambda i: (0, 0)),
            pl.BlockSpec((B, 1), lambda i: (0, 0)),
        ],
        out_specs=[
            pl.BlockSpec((BM, B), lambda i: (i, 0)),
            pl.BlockSpec((BM, B), lambda i: (i, 0)),
        ],
        out_shape=[jax.ShapeDtypeStruct((B, B), jnp.float32)] * 2,
        scratch_shapes=[
            pltpu.VMEM((B, D), jnp.bfloat16),
            pltpu.VMEM((B, D), jnp.bfloat16),
        ],
    )(u_rows, i_rows, i_rows, uid2, pid2, nid2)
    return pos, neg

# --- scband reference (transcript-rebuilt; emitter-appended) ---
"""Pipeline reference for scband-bpr-39539468927439 (READ-ONLY COPY).

The authoritative reference and input builder live on the scoring server;
editing this copy changes nothing except your own understanding.
"""

import jax, jax.numpy as jnp
import numpy as np

B = 4096
N_USERS = 1000000
N_ITEMS = 1000000
D = 64


def setup_inputs(seed: int = 0) -> dict:
    key = jax.random.key(seed)
    k1, k2, k3, k4, k5 = jax.random.split(key, 5)
    user_id = jax.random.randint(k1, (B,), 0, N_USERS)
    item_id = jax.random.randint(k2, (B,), 0, N_ITEMS)
    neg_item = jax.random.randint(k3, (B,), 0, N_ITEMS)
    user_table = jax.random.normal(k4, (N_USERS, D), dtype=jnp.float32) * 0.05
    item_table = jax.random.normal(k5, (N_ITEMS, D), dtype=jnp.float32) * 0.05
    return {
        "user_id": user_id,
        "item_id": item_id,
        "neg_item": neg_item,
        "user_table": user_table,
        "item_table": item_table,
        "training": False,
    }


def reference(user_id, item_id, neg_item, user_table, item_table, training=False):
    # BPR forward: embedding lookups + pairwise score matmuls
    user_emb = jnp.take(user_table, user_id, axis=0)        # [B, D]
    pos_item_em = jnp.take(item_table, item_id, axis=0)     # [B, D]
    neg_item_em = jnp.take(item_table, neg_item, axis=0)    # [B, D]
    pos_score = jnp.matmul(user_emb, pos_item_em.T)         # [B, B]
    neg_score = jnp.matmul(user_emb, neg_item_em.T)         # [B, B]
    return (pos_score, neg_score)

if __name__ == "__main__":
    import jax
    _d = setup_inputs()
    print(jax.jit(kernel)(*tuple(_d.values())))

</pallas_src>

<mosaic_0001>
#map = affine_map<(d0, d1) -> (0, 0)>
#map1 = affine_map<(d0, d1) -> (0)>
module attributes {stable_mosaic.version = 14 : i64} {
  func.func @gather_kernel(%arg0: i32, %arg1: i32, %arg2: memref<253952x128xi32, #tpu.memory_space<hbm>>, %arg3: memref<253952x128xi32, #tpu.memory_space<hbm>>, %arg4: memref<4096xi32, #tpu.memory_space<hbm>>, %arg5: memref<8192xi32, #tpu.memory_space<hbm>>, %arg6: memref<4096x128xi32, #tpu.memory_space<hbm>>, %arg7: memref<8192x128xi32, #tpu.memory_space<hbm>>, %arg8: memref<128xi32, #tpu.memory_space<vmem>>, %arg9: memref<256xi32, #tpu.memory_space<vmem>>, %arg10: memref<128x128xi32, #tpu.memory_space<vmem>>, %arg11: memref<256x128xi32, #tpu.memory_space<vmem>>, %arg12: memref<!tpu.dma_semaphore, #tpu.memory_space<semaphore_mem>>, %arg13: memref<!tpu.dma_semaphore, #tpu.memory_space<semaphore_mem>>) attributes {dimension_semantics = [#tpu.dimension_semantics<core_parallel>, #tpu.dimension_semantics<subcore_parallel>], iteration_bounds = array<i64: 2, 16>, scalar_prefetch = 0 : i64, scratch_operands = 6 : i64, tpu.core_type = #tpu.core_type<sc_vector_subcore>, window_params = [{transform_indices = #map}, {transform_indices = #map}, {transform_indices = #map1}, {transform_indices = #map1}, {transform_indices = #map}, {transform_indices = #map}]} {
    %mul3A = arith.constant 2 : i32
    %mul3A_0 = arith.muli %arg1, %mul3A : i32
    %add3A = arith.addi %mul3A_0, %arg0 : i32
    %mul3A_1 = arith.constant 128 : i32
    %mul3A_2 = arith.muli %add3A, %mul3A_1 : i32
    %mul3A_3 = arith.constant 256 : i32
    %mul3A_4 = arith.muli %add3A, %mul3A_3 : i32
    "tpu.region"() ({
      %run_scoped3A = tpu.sem_alloc : memref<!tpu.dma_semaphore, #tpu.memory_space<semaphore_mem>>
      %dma_start3A_48 = tpu.memref_slice %arg4[%mul3A_2] : memref<4096xi32, #tpu.memory_space<hbm>> -> memref<128xi32, #tpu.memory_space<hbm>>
      %dma_start3A_49 = tpu.memref_slice %arg4[%mul3A_2] : memref<4096xi32, #tpu.memory_space<hbm>> -> memref<128xi32, #tpu.memory_space<hbm>>
      tpu.enqueue_dma source(%dma_start3A_49 : memref<128xi32, #tpu.memory_space<hbm>>) target(%arg8 : memref<128xi32, #tpu.memory_space<vmem>>) target_semaphore(%run_scoped3A : memref<!tpu.dma_semaphore, #tpu.memory_space<semaphore_mem>>)
      %dma_wait3A_50 = tpu.memref_slice %arg4[%mul3A_2] : memref<4096xi32, #tpu.memory_space<hbm>> -> memref<128xi32, #tpu.memory_space<hbm>>
      %dma_wait3A_51 = tpu.memref_slice %arg4[%mul3A_2] : memref<4096xi32, #tpu.memory_space<hbm>> -> memref<128xi32, #tpu.memory_space<hbm>>
      tpu.wait_dma2 semaphore(%run_scoped3A : memref<!tpu.dma_semaphore, #tpu.memory_space<semaphore_mem>>) src(%dma_wait3A_51 : memref<128xi32, #tpu.memory_space<hbm>>) dst(%arg8 : memref<128xi32, #tpu.memory_space<vmem>>)
      tpu.yield
    }) : () -> ()
    "tpu.region"() ({
      %run_scoped3A = tpu.sem_alloc : memref<!tpu.dma_semaphore, #tpu.memory_space<semaphore_mem>>
      %dma_start3A_48 = tpu.memref_slice %arg5[%mul3A_4] : memref<8192xi32, #tpu.memory_space<hbm>> -> memref<256xi32, #tpu.memory_space<hbm>>
      %dma_start3A_49 = tpu.memref_slice %arg5[%mul3A_4] : memref<8192xi32, #tpu.memory_space<hbm>> -> memref<256xi32, #tpu.memory_space<hbm>>
      tpu.enqueue_dma source(%dma_start3A_49 : memref<256xi32, #tpu.memory_space<hbm>>) target(%arg9 : memref<256xi32, #tpu.memory_space<vmem>>) target_semaphore(%run_scoped3A : memref<!tpu.dma_semaphore, #tpu.memory_space<semaphore_mem>>)
      %dma_wait3A_50 = tpu.memref_slice %arg5[%mul3A_4] : memref<8192xi32, #tpu.memory_space<hbm>> -> memref<256xi32, #tpu.memory_space<hbm>>
      %dma_wait3A_51 = tpu.memref_slice %arg5[%mul3A_4] : memref<8192xi32, #tpu.memory_space<hbm>> -> memref<256xi32, #tpu.memory_space<hbm>>
      tpu.wait_dma2 semaphore(%run_scoped3A : memref<!tpu.dma_semaphore, #tpu.memory_space<semaphore_mem>>) src(%dma_wait3A_51 : memref<256xi32, #tpu.memory_space<hbm>>) dst(%arg9 : memref<256xi32, #tpu.memory_space<vmem>>)
      tpu.yield
    }) : () -> ()
    %scan3A = arith.constant 0 : i32
    %scan3A_5 = arith.constant 8 : i32
    %scan3A_6 = arith.addi %scan3A, %scan3A_5 : i32
    %scan3A_7 = arith.constant 1 : i32
    scf.for %scan3A_48 = %scan3A to %scan3A_6 step %scan3A_7  : i32 {
      %mul3A_49 = arith.constant 1 : i32
      %mul3A_50 = arith.muli %scan3A_48, %mul3A_49 : i32
      %add3A_51 = arith.constant 0 : i32
      %add3A_52 = arith.addi %add3A_51, %mul3A_50 : i32
      %mul3A_53 = arith.constant 16 : i32
      %mul3A_54 = arith.muli %add3A_52, %mul3A_53 : i32
      %get3A = arith.index_cast %mul3A_54 : i32 to index
      %get3A_55 = tpu.vector_load %arg8[%get3A] {strides = array<i32>} : memref<128xi32, #tpu.memory_space<vmem>>, vector<16xi32>,
      %get3A_56 = vector.shape_cast %get3A_55 : vector<16xi32> to vector<16xi32>
      %shift_right_logical3A = arith.constant 14 : i32
      %shift_right_logical3A_57 = vector.broadcast %shift_right_logical3A : i32 to vector<16xi32>
      %shift_right_logical3A_58 = arith.shrui %get3A_56, %shift_right_logical3A_57 : vector<16xi32>
      %and3A = arith.constant 8191 : i32
      %and3A_59 = vector.broadcast %and3A : i32 to vector<16xi32>
      %and3A_60 = arith.andi %get3A_56, %and3A_59 : vector<16xi32>
      %shift_left3A = arith.constant 12 : i32
      %shift_left3A_61 = vector.broadcast %shift_left3A : i32 to vector<16xi32>
      %shift_left3A_62 = arith.shli %shift_right_logical3A_58, %shift_left3A_61 : vector<16xi32>
      %shift_right_logical3A_63 = arith.constant 1 : i32
      %shift_right_logical3A_64 = vector.broadcast %shift_right_logical3A_63 : i32 to vector<16xi32>
      %shift_right_logical3A_65 = arith.shrui %and3A_60, %shift_right_logical3A_64 : vector<16xi32>
      %add3A_66 = arith.addi %shift_left3A_62, %shift_right_logical3A_65 : vector<16xi32>
      %swap3A = arith.index_cast %mul3A_54 : i32 to index
      %swap3A_67 = tpu.vector_load %arg8[%swap3A] {strides = array<i32>} : memref<128xi32, #tpu.memory_space<vmem>>, vector<16xi32>,
      %swap3A_68 = vector.shape_cast %swap3A_67 : vector<16xi32> to vector<16xi32>
      %swap3A_69 = vector.shape_cast %add3A_66 : vector<16xi32> to vector<16xi32>
      tpu.vector_store %arg8[%swap3A], %swap3A_69 {strides = array<i32>} : memref<128xi32, #tpu.memory_space<vmem>>, vector<16xi32>,
    }
    %scan3A_8 = arith.constant 8 : i32
    %scan3A_9 = arith.constant 0 : i32
    %scan3A_10 = arith.constant 16 : i32
    %scan3A_11 = arith.addi %scan3A_9, %scan3A_10 : i32
    %scan3A_12 = arith.constant 1 : i32
    scf.for %scan3A_48 = %scan3A_9 to %scan3A_11 step %scan3A_12  : i32 {
      %mul3A_49 = arith.constant 1 : i32
      %mul3A_50 = arith.muli %scan3A_48, %mul3A_49 : i32
      %add3A_51 = arith.constant 0 : i32
      %add3A_52 = arith.addi %add3A_51, %mul3A_50 : i32
      %mul3A_53 = arith.constant 16 : i32
      %mul3A_54 = arith.muli %add3A_52, %mul3A_53 : i32
      %get3A = arith.index_cast %mul3A_54 : i32 to index
      %get3A_55 = tpu.vector_load %arg9[%get3A] {strides = array<i32>} : memref<256xi32, #tpu.memory_space<vmem>>, vector<16xi32>,
      %get3A_56 = vector.shape_cast %get3A_55 : vector<16xi32> to vector<16xi32>
      %shift_right_logical3A = arith.constant 14 : i32
      %shift_right_logical3A_57 = vector.broadcast %shift_right_logical3A : i32 to vector<16xi32>
      %shift_right_logical3A_58 = arith.shrui %get3A_56, %shift_right_logical3A_57 : vector<16xi32>
      %and3A = arith.constant 8191 : i32
      %and3A_59 = vector.broadcast %and3A : i32 to vector<16xi32>
      %and3A_60 = arith.andi %get3A_56, %and3A_59 : vector<16xi32>
      %shift_left3A = arith.constant 12 : i32
      %shift_left3A_61 = vector.broadcast %shift_left3A : i32 to vector<16xi32>
      %shift_left3A_62 = arith.shli %shift_right_logical3A_58, %shift_left3A_61 : vector<16xi32>
      %shift_right_logical3A_63 = arith.constant 1 : i32
      %shift_right_logical3A_64 = vector.broadcast %shift_right_logical3A_63 : i32 to vector<16xi32>
      %shift_right_logical3A_65 = arith.shrui %and3A_60, %shift_right_logical3A_64 : vector<16xi32>
      %add3A_66 = arith.addi %shift_left3A_62, %shift_right_logical3A_65 : vector<16xi32>
      %swap3A = arith.index_cast %mul3A_54 : i32 to index
      %swap3A_67 = tpu.vector_load %arg9[%swap3A] {strides = array<i32>} : memref<256xi32, #tpu.memory_space<vmem>>, vector<16xi32>,
      %swap3A_68 = vector.shape_cast %swap3A_67 : vector<16xi32> to vector<16xi32>
      %swap3A_69 = vector.shape_cast %add3A_66 : vector<16xi32> to vector<16xi32>
      tpu.vector_store %arg9[%swap3A], %swap3A_69 {strides = array<i32>} : memref<256xi32, #tpu.memory_space<vmem>>, vector<16xi32>,
    }
    %scan3A_13 = arith.constant 16 : i32
    %dma_start3A = arith.constant 0 : i32
    %dma_start3A_14 = arith.constant 0 : i32
    %dma_start3A_15 = tpu.memref_slice %arg10[%dma_start3A, %dma_start3A_14] : memref<128x128xi32, #tpu.memory_space<vmem>> -> memref<128x128xi32, #tpu.memory_space<vmem>>
    %dma_start3A_16 = arith.constant 0 : i32
    %dma_start3A_17 = tpu.memref_slice %arg8[%dma_start3A_16] : memref<128xi32, #tpu.memory_space<vmem>> -> memref<128xi32, #tpu.memory_space<vmem>>
    %dma_start3A_18 = arith.constant 0 : i32
    %dma_start3A_19 = arith.constant 0 : i32
    %dma_start3A_20 = tpu.memref_slice %arg2[%dma_start3A_18, %dma_start3A_19] : memref<253952x128xi32, #tpu.memory_space<hbm>> -> memref<253952x128xi32, #tpu.memory_space<hbm>>
    tpu.enqueue_indirect_dma source(%dma_start3A_20 : memref<253952x128xi32, #tpu.memory_space<hbm>>) target(%dma_start3A_15 : memref<128x128xi32, #tpu.memory_space<vmem>>) offsets(%dma_start3A_17 : memref<128xi32, #tpu.memory_space<vmem>>) semaphore(%arg12 : memref<!tpu.dma_semaphore, #tpu.memory_space<semaphore_mem>>)
    %dma_start3A_21 = arith.constant 0 : i32
    %dma_start3A_22 = arith.constant 0 : i32
    %dma_start3A_23 = tpu.memref_slice %arg11[%dma_start3A_21, %dma_start3A_22] : memref<256x128xi32, #tpu.memory_space<vmem>> -> memref<128x128xi32, #tpu.memory_space<vmem>>
    %dma_start3A_24 = arith.constant 0 : i32
    %dma_start3A_25 = tpu.memref_slice %arg9[%dma_start3A_24] : memref<256xi32, #tpu.memory_space<vmem>> -> memref<128xi32, #tpu.memory_space<vmem>>
    %dma_start3A_26 = arith.constant 0 : i32
    %dma_start3A_27 = arith.constant 0 : i32
    %dma_start3A_28 = tpu.memref_slice %arg3[%dma_start3A_26, %dma_start3A_27] : memref<253952x128xi32, #tpu.memory_space<hbm>> -> memref<253952x128xi32, #tpu.memory_space<hbm>>
    tpu.enqueue_indirect_dma source(%dma_start3A_28 : memref<253952x128xi32, #tpu.memory_space<hbm>>) target(%dma_start3A_23 : memref<128x128xi32, #tpu.memory_space<vmem>>) offsets(%dma_start3A_25 : memref<128xi32, #tpu.memory_space<vmem>>) semaphore(%arg13 : memref<!tpu.dma_semaphore, #tpu.memory_space<semaphore_mem>>)
    %dma_start3A_29 = arith.constant 128 : i32
    %dma_start3A_30 = arith.constant 0 : i32
    %dma_start3A_31 = tpu.memref_slice %arg11[%dma_start3A_29, %dma_start3A_30] : memref<256x128xi32, #tpu.memory_space<vmem>> -> memref<128x128xi32, #tpu.memory_space<vmem>>
    %dma_start3A_32 = arith.constant 128 : i32
    %dma_start3A_33 = tpu.memref_slice %arg9[%dma_start3A_32] : memref<256xi32, #tpu.memory_space<vmem>> -> memref<128xi32, #tpu.memory_space<vmem>>
    %dma_start3A_34 = arith.constant 0 : i32
    %dma_start3A_35 = arith.constant 0 : i32
    %dma_start3A_36 = tpu.memref_slice %arg3[%dma_start3A_34, %dma_start3A_35] : memref<253952x128xi32, #tpu.memory_space<hbm>> -> memref<253952x128xi32, #tpu.memory_space<hbm>>
    tpu.enqueue_indirect_dma source(%dma_start3A_36 : memref<253952x128xi32, #tpu.memory_space<hbm>>) target(%dma_start3A_31 : memref<128x128xi32, #tpu.memory_space<vmem>>) offsets(%dma_start3A_33 : memref<128xi32, #tpu.memory_space<vmem>>) semaphore(%arg13 : memref<!tpu.dma_semaphore, #tpu.memory_space<semaphore_mem>>)
    %dma_wait3A = arith.constant 0 : i32
    %dma_wait3A_37 = arith.constant 0 : i32
    %dma_wait3A_38 = tpu.memref_slice %arg2[%dma_wait3A, %dma_wait3A_37] : memref<253952x128xi32, #tpu.memory_space<hbm>> -> memref<128x128xi32, #tpu.memory_space<hbm>>
    %dma_wait3A_39 = arith.constant 0 : i32
    %dma_wait3A_40 = arith.constant 0 : i32
    %dma_wait3A_41 = tpu.memref_slice %arg2[%dma_wait3A_39, %dma_wait3A_40] : memref<253952x128xi32, #tpu.memory_space<hbm>> -> memref<128x128xi32, #tpu.memory_space<hbm>>
    tpu.wait_dma2 semaphore(%arg12 : memref<!tpu.dma_semaphore, #tpu.memory_space<semaphore_mem>>) src(%dma_wait3A_41 : memref<128x128xi32, #tpu.memory_space<hbm>>) dst(%arg10 : memref<128x128xi32, #tpu.memory_space<vmem>>)
    "tpu.region"() ({
      %run_scoped3A = tpu.sem_alloc : memref<!tpu.dma_semaphore, #tpu.memory_space<semaphore_mem>>
      %dma_start3A_48 = arith.constant 0 : i32
      %dma_start3A_49 = tpu.memref_slice %arg6[%mul3A_2, %dma_start3A_48] : memref<4096x128xi32, #tpu.memory_space<hbm>> -> memref<128x128xi32, #tpu.memory_space<hbm>>
      %dma_start3A_50 = arith.constant 0 : i32
      %dma_start3A_51 = tpu.memref_slice %arg6[%mul3A_2, %dma_start3A_50] : memref<4096x128xi32, #tpu.memory_space<hbm>> -> memref<128x128xi32, #tpu.memory_space<hbm>>
      tpu.enqueue_dma source(%arg10 : memref<128x128xi32, #tpu.memory_space<vmem>>) target(%dma_start3A_51 : memref<128x128xi32, #tpu.memory_space<hbm>>) target_semaphore(%run_scoped3A : memref<!tpu.dma_semaphore, #tpu.memory_space<semaphore_mem>>)
      %dma_wait3A_52 = arith.constant 0 : i32
      %dma_wait3A_53 = tpu.memref_slice %arg6[%mul3A_2, %dma_wait3A_52] : memref<4096x128xi32, #tpu.memory_space<hbm>> -> memref<128x128xi32, #tpu.memory_space<hbm>>
      %dma_wait3A_54 = arith.constant 0 : i32
      %dma_wait3A_55 = tpu.memref_slice %arg6[%mul3A_2, %dma_wait3A_54] : memref<4096x128xi32, #tpu.memory_space<hbm>> -> memref<128x128xi32, #tpu.memory_space<hbm>>
      tpu.wait_dma2 semaphore(%run_scoped3A : memref<!tpu.dma_semaphore, #tpu.memory_space<semaphore_mem>>) src(%arg10 : memref<128x128xi32, #tpu.memory_space<vmem>>) dst(%dma_wait3A_55 : memref<128x128xi32, #tpu.memory_space<hbm>>)
      tpu.yield
    }) : () -> ()
    %dma_wait3A_42 = arith.constant 0 : i32
    %dma_wait3A_43 = arith.constant 0 : i32
    %dma_wait3A_44 = tpu.memref_slice %arg3[%dma_wait3A_42, %dma_wait3A_43] : memref<253952x128xi32, #tpu.memory_space<hbm>> -> memref<256x128xi32, #tpu.memory_space<hbm>>
    %dma_wait3A_45 = arith.constant 0 : i32
    %dma_wait3A_46 = arith.constant 0 : i32
    %dma_wait3A_47 = tpu.memref_slice %arg3[%dma_wait3A_45, %dma_wait3A_46] : memref<253952x128xi32, #tpu.memory_space<hbm>> -> memref<256x128xi32, #tpu.memory_space<hbm>>
    tpu.wait_dma2 semaphore(%arg13 : memref<!tpu.dma_semaphore, #tpu.memory_space<semaphore_mem>>) src(%dma_wait3A_47 : memref<256x128xi32, #tpu.memory_space<hbm>>) dst(%arg11 : memref<256x128xi32, #tpu.memory_space<vmem>>)
    "tpu.region"() ({
      %run_scoped3A = tpu.sem_alloc : memref<!tpu.dma_semaphore, #tpu.memory_space<semaphore_mem>>
      %dma_start3A_48 = arith.constant 0 : i32
      %dma_start3A_49 = tpu.memref_slice %arg7[%mul3A_4, %dma_start3A_48] : memref<8192x128xi32, #tpu.memory_space<hbm>> -> memref<256x128xi32, #tpu.memory_space<hbm>>
      %dma_start3A_50 = arith.constant 0 : i32
      %dma_start3A_51 = tpu.memref_slice %arg7[%mul3A_4, %dma_start3A_50] : memref<8192x128xi32, #tpu.memory_space<hbm>> -> memref<256x128xi32, #tpu.memory_space<hbm>>
      tpu.enqueue_dma source(%arg11 : memref<256x128xi32, #tpu.memory_space<vmem>>) target(%dma_start3A_51 : memref<256x128xi32, #tpu.memory_space<hbm>>) target_semaphore(%run_scoped3A : memref<!tpu.dma_semaphore, #tpu.memory_space<semaphore_mem>>)
      %dma_wait3A_52 = arith.constant 0 : i32
      %dma_wait3A_53 = tpu.memref_slice %arg7[%mul3A_4, %dma_wait3A_52] : memref<8192x128xi32, #tpu.memory_space<hbm>> -> memref<256x128xi32, #tpu.memory_space<hbm>>
      %dma_wait3A_54 = arith.constant 0 : i32
      %dma_wait3A_55 = tpu.memref_slice %arg7[%mul3A_4, %dma_wait3A_54] : memref<8192x128xi32, #tpu.memory_space<hbm>> -> memref<256x128xi32, #tpu.memory_space<hbm>>
      tpu.wait_dma2 semaphore(%run_scoped3A : memref<!tpu.dma_semaphore, #tpu.memory_space<semaphore_mem>>) src(%arg11 : memref<256x128xi32, #tpu.memory_space<vmem>>) dst(%dma_wait3A_55 : memref<256x128xi32, #tpu.memory_space<hbm>>)
      tpu.yield
    }) : () -> ()
    return
  }
}

module attributes {stable_mosaic.version = 14 : i64} {
  func.func @_t_body(%arg0: i32, %arg1: memref<64x16384xf32, #tpu.memory_space<vmem>>, %arg2: memref<64x64xf32, #tpu.memory_space<vmem>>, %arg3: memref<4096x128xi32, #tpu.memory_space<vmem>>) attributes {dimension_semantics = [#tpu.dimension_semantics<parallel>], iteration_bounds = array<i64: 62>, scalar_prefetch = 0 : i64, scratch_operands = 0 : i64, tpu.core_type = #tpu.core_type<tc>, window_params = [{transform_indices = @transform_0, window_bounds = array<i64: 64, 16384>}, {pipeline_mode = #tpu.pipeline_mode<synchronous>, transform_indices = @transform_1, window_bounds = array<i64: 64, 64>}, {transform_indices = @transform_2, window_bounds = array<i64: 4096, 128>}]} {
    %get3A = arith.constant 0 : index
    %get3A_0 = arith.constant 0 : index
    %get3A_1 = vector.load %arg1[%get3A, %get3A_0] : memref<64x16384xf32, #tpu.memory_space<vmem>>, vector<64x16384xf32>
    %slice3A = vector.extract_strided_slice %get3A_1 {offsets = [0, 0], sizes = [64, 8192], strides = [1, 1]} : vector<64x16384xf32> to vector<64x8192xf32>
    %get3A_2 = arith.constant 0 : index
    %get3A_3 = arith.constant 0 : index
    %get3A_4 = vector.load %arg2[%get3A_2, %get3A_3] : memref<64x64xf32, #tpu.memory_space<vmem>>, vector<64x64xf32>
    %dot_general3A = arith.constant dense<0.000000e+00> : vector<8192x64xf32>
    %dot_general3A_5 = tpu.matmul %slice3A, %get3A_4, %dot_general3A {dimension_numbers = #tpu.dot_dimension_numbers<[0], [0], [1], [1], [0, 1, 1, 1], [], []>, transpose_lhs_hint = false} : vector<64x8192xf32>, vector<64x64xf32>, vector<8192x64xf32> -> vector<8192x64xf32>
    %slice3A_6 = vector.extract_strided_slice %get3A_1 {offsets = [0, 8192], sizes = [64, 8192], strides = [1, 1]} : vector<64x16384xf32> to vector<64x8192xf32>
    %get3A_7 = arith.constant 0 : index
    %get3A_8 = arith.constant 0 : index
    %get3A_9 = vector.load %arg2[%get3A_7, %get3A_8] : memref<64x64xf32, #tpu.memory_space<vmem>>, vector<64x64xf32>
    %dot_general3A_10 = arith.constant dense<0.000000e+00> : vector<8192x64xf32>
    %dot_general3A_11 = tpu.matmul %slice3A_6, %get3A_9, %dot_general3A_10 {dimension_numbers = #tpu.dot_dimension_numbers<[0], [0], [1], [1], [0, 1, 1, 1], [], []>, transpose_lhs_hint = false} : vector<64x8192xf32>, vector<64x64xf32>, vector<8192x64xf32> -> vector<8192x64xf32>
    %convert_element_type3A = arith.truncf %dot_general3A_5 : vector<8192x64xf32> to vector<8192x64xbf16>
    %convert_element_type3A_12 = arith.truncf %dot_general3A_11 : vector<8192x64xf32> to vector<8192x64xbf16>
    %concatenate3A = tpu.concatenate %convert_element_type3A, %convert_element_type3A_12 in 1 : vector<8192x64xbf16>, vector<8192x64xbf16> -> vector<8192x128xbf16>
    %bitcast3A = tpu.bitcast %concatenate3A : vector<8192x128xbf16> -> vector<4096x128xi32>
    %swap3A = arith.constant 0 : index
    %swap3A_13 = arith.constant 0 : index
    %swap3A_14 = vector.load %arg3[%swap3A, %swap3A_13] : memref<4096x128xi32, #tpu.memory_space<vmem>>, vector<4096x128xi32>
    tpu.vector_store %arg3[%swap3A, %swap3A_13], %bitcast3A {strides = array<i32>} : memref<4096x128xi32, #tpu.memory_space<vmem>>, vector<4096x128xi32>,
    return
  }
  func.func @transform_0(%arg0: i32) -> (i32, i32) {
    %c0_i32 = arith.constant 0 : i32
    %c0_i32_0 = arith.constant 0 : i32
    return %c0_i32, %arg0 : i32, i32
  }
  func.func @transform_1(%arg0: i32) -> (i32, i32) {
    %c0_i32 = arith.constant 0 : i32
    %c0_i32_0 = arith.constant 0 : i32
    %c0_i32_1 = arith.constant 0 : i32
    return %c0_i32, %c0_i32_0 : i32, i32
  }
  func.func @transform_2(%arg0: i32) -> (i32, i32) {
    %c0_i32 = arith.constant 0 : i32
    %c0_i32_0 = arith.constant 0 : i32
    return %arg0, %c0_i32 : i32, i32
  }
}

module attributes {stable_mosaic.version = 14 : i64} {
  func.func @_mm_body(%arg0: i32, %arg1: memref<256x128xi32, #tpu.memory_space<vmem>>, %arg2: memref<4096x128xi32, #tpu.memory_space<vmem>>, %arg3: memref<4096x128xi32, #tpu.memory_space<vmem>>, %arg4: memref<256x1xi32, #tpu.memory_space<vmem>>, %arg5: memref<4096x1xi32, #tpu.memory_space<vmem>>, %arg6: memref<4096x1xi32, #tpu.memory_space<vmem>>, %arg7: memref<256x4096xf32, #tpu.memory_space<vmem>>, %arg8: memref<256x4096xf32, #tpu.memory_space<vmem>>, %arg9: memref<4096x64xbf16, #tpu.memory_space<vmem>>, %arg10: memref<4096x64xbf16, #tpu.memory_space<vmem>>) attributes {dimension_semantics = [#tpu.dimension_semantics<parallel>], iteration_bounds = array<i64: 16>, scalar_prefetch = 0 : i64, scratch_operands = 2 : i64, tpu.core_type = #tpu.core_type<tc>, window_params = [{transform_indices = @transform_0, window_bounds = array<i64: 256, 128>}, {transform_indices = @transform_1, window_bounds = array<i64: 4096, 128>}, {transform_indices = @transform_2, window_bounds = array<i64: 4096, 128>}, {transform_indices = @transform_3, window_bounds = array<i64: 256, 1>}, {pipeline_mode = #tpu.pipeline_mode<synchronous>, transform_indices = @transform_4, window_bounds = array<i64: 4096, 1>}, {pipeline_mode = #tpu.pipeline_mode<synchronous>, transform_indices = @transform_5, window_bounds = array<i64: 4096, 1>}, {transform_indices = @transform_6, window_bounds = array<i64: 256, 4096>}, {transform_indices = @transform_7, window_bounds = array<i64: 256, 4096>}]} {
    %eq3A = arith.constant 0 : i32
    %eq3A_0 = arith.cmpi eq, %arg0, %eq3A : i32
    %convert_element_type3A = arith.extui %eq3A_0 : i1 to i32
    %cond3A = arith.constant 0 : i32
    %cond3A_1 = arith.cmpi ne, %convert_element_type3A, %cond3A : i32
    scf.if %cond3A_1 {
      %get3A_43 = arith.constant 0 : index
      %get3A_44 = arith.constant 0 : index
      %get3A_45 = vector.load %arg2[%get3A_43, %get3A_44] : memref<4096x128xi32, #tpu.memory_space<vmem>>, vector<4096x128xi32>
      %get3A_46 = arith.constant 0 : index
      %get3A_47 = arith.constant 0 : index
      %get3A_48 = vector.load %arg5[%get3A_46, %get3A_47] : memref<4096x1xi32, #tpu.memory_space<vmem>>, vector<4096x1xi32>
      %shift_left3A_49 = arith.constant 16 : i32
      %shift_left3A_50 = vector.broadcast %shift_left3A_49 : i32 to vector<4096x128xi32>
      %shift_left3A_51 = arith.shli %get3A_45, %shift_left3A_50 : vector<4096x128xi32>
      %bitcast3A_52 = tpu.bitcast %shift_left3A_51 : vector<4096x128xi32> -> vector<4096x128xf32>
      %and3A_53 = arith.constant -65536 : i32
      %and3A_54 = vector.broadcast %and3A_53 : i32 to vector<4096x128xi32>
      %and3A_55 = arith.andi %get3A_45, %and3A_54 : vector<4096x128xi32>
      %bitcast3A_56 = tpu.bitcast %and3A_55 : vector<4096x128xi32> -> vector<4096x128xf32>
      %and3A_57 = arith.constant 1 : i32
      %and3A_58 = vector.broadcast %and3A_57 : i32 to vector<4096x1xi32>
      %and3A_59 = arith.andi %get3A_48, %and3A_58 : vector<4096x1xi32>
      %ne3A_60 = arith.constant 0 : i32
      %ne3A_61 = vector.broadcast %ne3A_60 : i32 to vector<4096x1xi32>
      %ne3A_62 = arith.cmpi ne, %and3A_59, %ne3A_61 : vector<4096x1xi32>
      %and3A_63 = arith.constant 8192 : i32
      %and3A_64 = vector.broadcast %and3A_63 : i32 to vector<4096x1xi32>
      %and3A_65 = arith.andi %get3A_48, %and3A_64 : vector<4096x1xi32>
      %ne3A_66 = arith.constant 0 : i32
      %ne3A_67 = vector.broadcast %ne3A_66 : i32 to vector<4096x1xi32>
      %ne3A_68 = arith.cmpi ne, %and3A_65, %ne3A_67 : vector<4096x1xi32>
      %broadcast_in_dim3A_69 = vector.shape_cast %ne3A_62 : vector<4096x1xi1> to vector<4096x1xi1>
      %broadcast_in_dim3A_70 = vector.broadcast %broadcast_in_dim3A_69 : vector<4096x1xi1> to vector<4096x128xi1>
      %select_n3A_71 = arith.select %broadcast_in_dim3A_70, %bitcast3A_56, %bitcast3A_52 : vector<4096x128xi1>, vector<4096x128xf32>
      %slice3A_72 = vector.extract_strided_slice %select_n3A_71 {offsets = [0, 64], sizes = [4096, 64], strides = [1, 1]} : vector<4096x128xf32> to vector<4096x64xf32>
      %slice3A_73 = vector.extract_strided_slice %select_n3A_71 {offsets = [0, 0], sizes = [4096, 64], strides = [1, 1]} : vector<4096x128xf32> to vector<4096x64xf32>
      %broadcast_in_dim3A_74 = vector.shape_cast %ne3A_68 : vector<4096x1xi1> to vector<4096x1xi1>
      %broadcast_in_dim3A_75 = vector.broadcast %broadcast_in_dim3A_74 : vector<4096x1xi1> to vector<4096x64xi1>
      %select_n3A_76 = arith.select %broadcast_in_dim3A_75, %slice3A_72, %slice3A_73 : vector<4096x64xi1>, vector<4096x64xf32>
      %convert_element_type3A_77 = arith.truncf %select_n3A_76 : vector<4096x64xf32> to vector<4096x64xbf16>
      %swap3A_78 = arith.constant 0 : index
      %swap3A_79 = arith.constant 0 : index
      %swap3A_80 = vector.load %arg9[%swap3A_78, %swap3A_79] : memref<4096x64xbf16, #tpu.memory_space<vmem>>, vector<4096x64xbf16>
      tpu.vector_store %arg9[%swap3A_78, %swap3A_79], %convert_element_type3A_77 {strides = array<i32>} : memref<4096x64xbf16, #tpu.memory_space<vmem>>, vector<4096x64xbf16>,
      %get3A_81 = arith.constant 0 : index
      %get3A_82 = arith.constant 0 : index
      %get3A_83 = vector.load %arg3[%get3A_81, %get3A_82] : memref<4096x128xi32, #tpu.memory_space<vmem>>, vector<4096x128xi32>
      %get3A_84 = arith.constant 0 : index
      %get3A_85 = arith.constant 0 : index
      %get3A_86 = vector.load %arg6[%get3A_84, %get3A_85] : memref<4096x1xi32, #tpu.memory_space<vmem>>, vector<4096x1xi32>
      %shift_left3A_87 = arith.constant 16 : i32
      %shift_left3A_88 = vector.broadcast %shift_left3A_87 : i32 to vector<4096x128xi32>
      %shift_left3A_89 = arith.shli %get3A_83, %shift_left3A_88 : vector<4096x128xi32>
      %bitcast3A_90 = tpu.bitcast %shift_left3A_89 : vector<4096x128xi32> -> vector<4096x128xf32>
      %and3A_91 = arith.constant -65536 : i32
      %and3A_92 = vector.broadcast %and3A_91 : i32 to vector<4096x128xi32>
      %and3A_93 = arith.andi %get3A_83, %and3A_92 : vector<4096x128xi32>
      %bitcast3A_94 = tpu.bitcast %and3A_93 : vector<4096x128xi32> -> vector<4096x128xf32>
      %and3A_95 = arith.constant 1 : i32
      %and3A_96 = vector.broadcast %and3A_95 : i32 to vector<4096x1xi32>
      %and3A_97 = arith.andi %get3A_86, %and3A_96 : vector<4096x1xi32>
      %ne3A_98 = arith.constant 0 : i32
      %ne3A_99 = vector.broadcast %ne3A_98 : i32 to vector<4096x1xi32>
      %ne3A_100 = arith.cmpi ne, %and3A_97, %ne3A_99 : vector<4096x1xi32>
      %and3A_101 = arith.constant 8192 : i32
      %and3A_102 = vector.broadcast %and3A_101 : i32 to vector<4096x1xi32>
      %and3A_103 = arith.andi %get3A_86, %and3A_102 : vector<4096x1xi32>
      %ne3A_104 = arith.constant 0 : i32
      %ne3A_105 = vector.broadcast %ne3A_104 : i32 to vector<4096x1xi32>
      %ne3A_106 = arith.cmpi ne, %and3A_103, %ne3A_105 : vector<4096x1xi32>
      %broadcast_in_dim3A_107 = vector.shape_cast %ne3A_100 : vector<4096x1xi1> to vector<4096x1xi1>
      %broadcast_in_dim3A_108 = vector.broadcast %broadcast_in_dim3A_107 : vector<4096x1xi1> to vector<4096x128xi1>
      %select_n3A_109 = arith.select %broadcast_in_dim3A_108, %bitcast3A_94, %bitcast3A_90 : vector<4096x128xi1>, vector<4096x128xf32>
      %slice3A_110 = vector.extract_strided_slice %select_n3A_109 {offsets = [0, 64], sizes = [4096, 64], strides = [1, 1]} : vector<4096x128xf32> to vector<4096x64xf32>
      %slice3A_111 = vector.extract_strided_slice %select_n3A_109 {offsets = [0, 0], sizes = [4096, 64], strides = [1, 1]} : vector<4096x128xf32> to vector<4096x64xf32>
      %broadcast_in_dim3A_112 = vector.shape_cast %ne3A_106 : vector<4096x1xi1> to vector<4096x1xi1>
      %broadcast_in_dim3A_113 = vector.broadcast %broadcast_in_dim3A_112 : vector<4096x1xi1> to vector<4096x64xi1>
      %select_n3A_114 = arith.select %broadcast_in_dim3A_113, %slice3A_110, %slice3A_111 : vector<4096x64xi1>, vector<4096x64xf32>
      %convert_element_type3A_115 = arith.truncf %select_n3A_114 : vector<4096x64xf32> to vector<4096x64xbf16>
      %swap3A_116 = arith.constant 0 : index
      %swap3A_117 = arith.constant 0 : index
      %swap3A_118 = vector.load %arg10[%swap3A_116, %swap3A_117] : memref<4096x64xbf16, #tpu.memory_space<vmem>>, vector<4096x64xbf16>
      tpu.vector_store %arg10[%swap3A_116, %swap3A_117], %convert_element_type3A_115 {strides = array<i32>} : memref<4096x64xbf16, #tpu.memory_space<vmem>>, vector<4096x64xbf16>,
    } else {
    }
    %get3A = arith.constant 0 : index
    %get3A_2 = arith.constant 0 : index
    %get3A_3 = vector.load %arg1[%get3A, %get3A_2] : memref<256x128xi32, #tpu.memory_space<vmem>>, vector<256x128xi32>
    %get3A_4 = arith.constant 0 : index
    %get3A_5 = arith.constant 0 : index
    %get3A_6 = vector.load %arg4[%get3A_4, %get3A_5] : memref<256x1xi32, #tpu.memory_space<vmem>>, vector<256x1xi32>
    %shift_left3A = arith.constant 16 : i32
    %shift_left3A_7 = vector.broadcast %shift_left3A : i32 to vector<256x128xi32>
    %shift_left3A_8 = arith.shli %get3A_3, %shift_left3A_7 : vector<256x128xi32>
    %bitcast3A = tpu.bitcast %shift_left3A_8 : vector<256x128xi32> -> vector<256x128xf32>
    %and3A = arith.constant -65536 : i32
    %and3A_9 = vector.broadcast %and3A : i32 to vector<256x128xi32>
    %and3A_10 = arith.andi %get3A_3, %and3A_9 : vector<256x128xi32>
    %bitcast3A_11 = tpu.bitcast %and3A_10 : vector<256x128xi32> -> vector<256x128xf32>
    %and3A_12 = arith.constant 1 : i32
    %and3A_13 = vector.broadcast %and3A_12 : i32 to vector<256x1xi32>
    %and3A_14 = arith.andi %get3A_6, %and3A_13 : vector<256x1xi32>
    %ne3A = arith.constant 0 : i32
    %ne3A_15 = vector.broadcast %ne3A : i32 to vector<256x1xi32>
    %ne3A_16 = arith.cmpi ne, %and3A_14, %ne3A_15 : vector<256x1xi32>
    %and3A_17 = arith.constant 8192 : i32
    %and3A_18 = vector.broadcast %and3A_17 : i32 to vector<256x1xi32>
    %and3A_19 = arith.andi %get3A_6, %and3A_18 : vector<256x1xi32>
    %ne3A_20 = arith.constant 0 : i32
    %ne3A_21 = vector.broadcast %ne3A_20 : i32 to vector<256x1xi32>
    %ne3A_22 = arith.cmpi ne, %and3A_19, %ne3A_21 : vector<256x1xi32>
    %broadcast_in_dim3A = vector.shape_cast %ne3A_16 : vector<256x1xi1> to vector<256x1xi1>
    %broadcast_in_dim3A_23 = vector.broadcast %broadcast_in_dim3A : vector<256x1xi1> to vector<256x128xi1>
    %select_n3A = arith.select %broadcast_in_dim3A_23, %bitcast3A_11, %bitcast3A : vector<256x128xi1>, vector<256x128xf32>
    %slice3A = vector.extract_strided_slice %select_n3A {offsets = [0, 64], sizes = [256, 64], strides = [1, 1]} : vector<256x128xf32> to vector<256x64xf32>
    %slice3A_24 = vector.extract_strided_slice %select_n3A {offsets = [0, 0], sizes = [256, 64], strides = [1, 1]} : vector<256x128xf32> to vector<256x64xf32>
    %broadcast_in_dim3A_25 = vector.shape_cast %ne3A_22 : vector<256x1xi1> to vector<256x1xi1>
    %broadcast_in_dim3A_26 = vector.broadcast %broadcast_in_dim3A_25 : vector<256x1xi1> to vector<256x64xi1>
    %select_n3A_27 = arith.select %broadcast_in_dim3A_26, %slice3A, %slice3A_24 : vector<256x64xi1>, vector<256x64xf32>
    %convert_element_type3A_28 = arith.truncf %select_n3A_27 : vector<256x64xf32> to vector<256x64xbf16>
    %get3A_29 = arith.constant 0 : index
    %get3A_30 = arith.constant 0 : index
    %get3A_31 = vector.load %arg9[%get3A_29, %get3A_30] : memref<4096x64xbf16, #tpu.memory_space<vmem>>, vector<4096x64xbf16>
    %dot_general3A = arith.constant dense<0.000000e+00> : vector<256x4096xf32>
    %dot_general3A_32 = tpu.matmul %convert_element_type3A_28, %get3A_31, %dot_general3A {dimension_numbers = #tpu.dot_dimension_numbers<[1], [1], [0], [0], [0, 0, 1, 0], [], []>, transpose_lhs_hint = false} : vector<256x64xbf16>, vector<4096x64xbf16>, vector<256x4096xf32> -> vector<256x4096xf32>
    %swap3A = arith.constant 0 : index
    %swap3A_33 = arith.constant 0 : index
    %swap3A_34 = vector.load %arg7[%swap3A, %swap3A_33] : memref<256x4096xf32, #tpu.memory_space<vmem>>, vector<256x4096xf32>
    tpu.vector_store %arg7[%swap3A, %swap3A_33], %dot_general3A_32 {strides = array<i32>} : memref<256x4096xf32, #tpu.memory_space<vmem>>, vector<256x4096xf32>,
    %get3A_35 = arith.constant 0 : index
    %get3A_36 = arith.constant 0 : index
    %get3A_37 = vector.load %arg10[%get3A_35, %get3A_36] : memref<4096x64xbf16, #tpu.memory_space<vmem>>, vector<4096x64xbf16>
    %dot_general3A_38 = arith.constant dense<0.000000e+00> : vector<256x4096xf32>
    %dot_general3A_39 = tpu.matmul %convert_element_type3A_28, %get3A_37, %dot_general3A_38 {dimension_numbers = #tpu.dot_dimension_numbers<[1], [1], [0], [0], [0, 0, 1, 0], [], []>, transpose_lhs_hint = false} : vector<256x64xbf16>, vector<4096x64xbf16>, vector<256x4096xf32> -> vector<256x4096xf32>
    %swap3A_40 = arith.constant 0 : index
    %swap3A_41 = arith.constant 0 : index
    %swap3A_42 = vector.load %arg8[%swap3A_40, %swap3A_41] : memref<256x4096xf32, #tpu.memory_space<vmem>>, vector<256x4096xf32>
    tpu.vector_store %arg8[%swap3A_40, %swap3A_41], %dot_general3A_39 {strides = array<i32>} : memref<256x4096xf32, #tpu.memory_space<vmem>>, vector<256x4096xf32>,
    return
  }
  func.func @transform_0(%arg0: i32) -> (i32, i32) {
    %c0_i32 = arith.constant 0 : i32
    %c0_i32_0 = arith.constant 0 : i32
    return %arg0, %c0_i32 : i32, i32
  }
  func.func @transform_1(%arg0: i32) -> (i32, i32) {
    %c0_i32 = arith.constant 0 : i32
    %c0_i32_0 = arith.constant 0 : i32
    %c0_i32_1 = arith.constant 0 : i32
    return %c0_i32, %c0_i32_0 : i32, i32
  }
  func.func @transform_2(%arg0: i32) -> (i32, i32) {
    %c1_i32 = arith.constant 1 : i32
    %c0_i32 = arith.constant 0 : i32
    %c0_i32_0 = arith.constant 0 : i32
    return %c1_i32, %c0_i32 : i32, i32
  }
  func.func @transform_3(%arg0: i32) -> (i32, i32) {
    %c0_i32 = arith.constant 0 : i32
    %c0_i32_0 = arith.constant 0 : i32
    return %arg0, %c0_i32 : i32, i32
  }
  func.func @transform_4(%arg0: i32) -> (i32, i32) {
    %c0_i32 = arith.constant 0 : i32
    %c0_i32_0 = arith.constant 0 : i32
    %c0_i32_1 = arith.constant 0 : i32
    return %c0_i32, %c0_i32_0 : i32, i32
  }
  func.func @transform_5(%arg0: i32) -> (i32, i32) {
    %c0_i32 = arith.constant 0 : i32
    %c0_i32_0 = arith.constant 0 : i32
    %c0_i32_1 = arith.constant 0 : i32
    return %c0_i32, %c0_i32_0 : i32, i32
  }
  func.func @transform_6(%arg0: i32) -> (i32, i32) {
    %c0_i32 = arith.constant 0 : i32
    %c0_i32_0 = arith.constant 0 : i32
    return %arg0, %c0_i32 : i32, i32
  }
  func.func @transform_7(%arg0: i32) -> (i32, i32) {
    %c0_i32 = arith.constant 0 : i32
    %c0_i32_0 = arith.constant 0 : i32
    return %arg0, %c0_i32 : i32, i32
  }
}

</mosaic_0001>

<sc_bundles>
// kernel: kernel.6.cloned.1.call-start
scs
__scs_entry_jumppad:
0x0: {  	(pc) =	sbr.rel $0x88, $3  }
0x1: {  	(tag) =	ssettag $0x0;
	lr =	simm.s32 $0x1  }
0x2: {  	[smem:$0x3F9C] =	sst lr;
	_ =	strace $0xD0000000  }
0x3: {  	_ = 	snop  }
0x4: {  	_ = 	snop  }
0x5: {  	_ = 	snop  }
0x6: {  	_ = 	snop  }
0x7: {  	_ = 	snop  }
__scs_overlays_trampoline_lowered:
0x8: {  	[smem:$0x3FAB] =	sst s0  }
0x9: {  	[smem:$0x3FAC] =	sst s1  }
0xa: {  	[smem:$0x3FAD] =	sst s2  }
0xb: {  	[smem:$0x3FAE] =	sst s3  }
0xc: {  	[smem:$0x3FAF] =	sst s4  }
0xd: {  	[smem:$0x3FB0] =	sst s5  }
0xe: {  	[smem:$0x3FB1] =	sst s6  }
0xf: {  	[smem:$0x3FB2] =	sst s7  }
0x10: {  	[smem:$0x3FB3] =	sst s8  }
0x11: {  	[smem:$0x3FB4] =	sst s9;
	s0 =	simm.s32 @!p0 $0x0  }
0x12: {  	s1 =	sld [smem:$0x3F9A];
	s0 =	simm.s32 @p0 $0x1  }
0x13: {  	[smem:$0x3FB5] =	sst s0;
	s0 =	simm.s32 @!p1 $0x0  }
0x14: {  	s2 =	sld [smem:$0x3F99];
	s0 =	simm.s32 @p1 $0x1  }
0x15: {  	[smem:$0x3FB6] =	sst s0;
	s0 =	simm.s32 @!p2 $0x0  }
0x16: {  	s3 =	sld [smem:$0x3FDB];
	s0 =	simm.s32 @p2 $0x1  }
0x17: {  	s4 =	simm.s32 $0x1BF5;
	[smem:$0x3FB8] =	sst s0  }
0x18: {  	s0 =	sld [smem:$0x3F9B];
	_ =	swait.ge [sflag:s4], $0x0  }
0x19: {  	s7 =	sld [smem:$0x3F9C]  }
0x1a: {  	s8 =	sadd.s32 $0xFFFFE003, lr  }
0x1b: {  	s9 =	sadd.s32 $0xFFFFFEF7, lr;
	s5 =	simm.s32 $0xFFFFFFFF;
	p2 =	slt.u32 s8, $0xFFFFF086  }
0x1c: {  	p1 =	slt.u32 s9, $0xF7A;
	s5 =	simm.s32 @!p2 $0x0  }
0x1d: {  	s5 =	simm.s32 @p1 $0x1;
	p0 =	seq.s32 s7, s2  }
0x1e: {  	s7 =	smul.u32 @!p0 $0xF7A, s2;
	p2 =	seq.s32 @!p0 s5, $0x0  }
0x1f: {  	s9 =	smul.u32 $0xF7A, s1;
	s8 =	simm.s32 @!p0 $0x1BF5;
	p2 =	por !p2, p0  }
0x20: {  	[sflag:s8] =	ssyncset.s32 @!p0 $0xFFFFF086;
	s6 =	sadd.s32 @!p0 s3, s7;
	s7 =	simm.s32 @!p0 $0x108  }
0x21: {  	s3 =	sadd.s32 s3, s9;
	s6 =	sadd.s32 @!p0 $0x88, s6;
	s7 =	simm.s32 @p2 $0x1082  }
0x22: {  	[simem:s7], [sflag:s8] =	dma.local @!p0 [hbm:s6], $0xF7A  }
0x23: {  	s9 =	sor.u32 $0xD0000000, s2;
	s6 =	simm.s32 $0x108;
	_ =	swait.ge @!p0 [sflag:s8], $0x0  }
0x24: {  	s3 =	sadd.s32 $0x88, s3;
	s6 =	simm.s32 @!p1 $0x1082;
	[sflag:s4] =	ssyncset.s32 $0xFFFFF086  }
0x25: {  	[simem:s6], [sflag:s4] =	dma.local [hbm:s3], $0xF7A  }
0x26: {  	[smem:$0x3F9C] =	sst s1;
	(tag) =	ssettag s2;
	_ =	strace s9  }
0x27: {  	s1 =	sld [smem:$0x3FAC]  }
0x28: {  	s2 =	sld [smem:$0x3FAD]  }
0x29: {  	s4 =	sld [smem:$0x3FAF]  }
0x2a: {  	p0 =	seq.s32 s5, $0x0;
	s5 =	sld [smem:$0x3FB0]  }
0x2b: {  	s6 =	sld [smem:$0x3FB1]  }
0x2c: {  	s7 =	sld [smem:$0x3FB2]  }
0x2d: {  	s3 =	simm.s32 $0x108;
	s8 =	sld [smem:$0x3FB3]  }
0x2e: {  	s3 =	simm.s32 @!p0 $0x1082;
	s9 =	sld [smem:$0x3FB4]  }
0x2f: {  	lr =	sadd.s32 s0, s3;
	s0 =	sld [smem:$0x3FAB]  }
0x30: {  	s3 =	sld [smem:$0x3FAE]  }
0x31: {  	[smem:$0x3FB7] =	sst s10  }
0x32: {  	s10 =	sld [smem:$0x3FB5];
	_ =	sdelay $0x3  }
0x33: {  	p0 =	seq.s32 s10, $0x1;
	s10 =	sld [smem:$0x3FB7];
	_ =	sdelay $0x3  }
0x34: {  	[smem:$0x3FB7] =	sst s10  }
0x35: {  	s10 =	sld [smem:$0x3FB6];
	_ =	sdelay $0x3  }
0x36: {  	p1 =	seq.s32 s10, $0x1;
	s10 =	sld [smem:$0x3FB7];
	_ =	sdelay $0x3  }
0x37: {  	[smem:$0x3FB7] =	sst s10  }
0x38: {  	s10 =	sld [smem:$0x3FB8]  }
0x39: {  	_ = 	snop;
	(pc) =	sbr.ind lr, $3  }
0x3a: {  	_ = 	snop  }
0x3b: {  	_ = 	snop  }
0x3c: {  	p2 =	seq.s32 s10, $0x1;
	s10 =	sld [smem:$0x3FB7]  }
0x3d: {  	_ =	shalt  }
0x3e: {  	_ =	shalt  }
0x3f: {  	_ =	shalt  }
0x40: {  	_ =	shalt  }
0x41: {  	_ =	shalt  }
0x42: {  	_ =	shalt  }
0x43: {  	_ =	shalt  }
0x44: {  	_ =	shalt  }
0x45: {  	_ =	shalt  }
0x46: {  	_ =	shalt  }
0x47: {  	_ =	shalt  }
0x48: {  	_ =	shalt  }
0x49: {  	_ =	shalt  }
0x4a: {  	_ =	shalt  }
0x4b: {  	_ =	shalt  }
0x4c: {  	_ =	shalt  }
0x4d: {  	_ =	shalt  }
0x4e: {  	_ =	shalt  }
0x4f: {  	_ =	shalt  }
0x50: {  	_ =	shalt  }
0x51: {  	_ =	shalt  }
0x52: {  	_ =	shalt  }
0x53: {  	_ =	shalt  }
0x54: {  	_ =	shalt  }
0x55: {  	_ =	shalt  }
0x56: {  	_ =	shalt  }
0x57: {  	_ =	shalt  }
0x58: {  	_ =	shalt  }
0x59: {  	_ =	shalt  }
0x5a: {  	_ =	shalt  }
0x5b: {  	_ =	shalt  }
0x5c: {  	_ =	shalt  }
0x5d: {  	_ =	shalt  }
0x5e: {  	_ =	shalt  }
0x5f: {  	_ =	shalt  }
0x60: {  	_ =	shalt  }
0x61: {  	_ =	shalt  }
0x62: {  	_ =	shalt  }
0x63: {  	_ =	shalt  }
0x64: {  	_ =	shalt  }
0x65: {  	_ =	shalt  }
0x66: {  	_ =	shalt  }
0x67: {  	_ =	shalt  }
0x68: {  	_ =	shalt  }
0x69: {  	_ =	shalt  }
0x6a: {  	_ =	shalt  }
0x6b: {  	_ =	shalt  }
0x6c: {  	_ =	shalt  }
0x6d: {  	_ =	shalt  }
0x6e: {  	_ =	shalt  }
0x6f: {  	_ =	shalt  }
0x70: {  	_ =	shalt  }
0x71: {  	_ =	shalt  }
0x72: {  	_ =	shalt  }
0x73: {  	_ =	shalt  }
0x74: {  	_ =	shalt  }
0x75: {  	_ =	shalt  }
0x76: {  	_ =	shalt  }
0x77: {  	_ =	shalt  }
0x78: {  	_ =	shalt  }
0x79: {  	_ =	shalt  }
0x7a: {  	_ =	shalt  }
0x7b: {  	_ =	shalt  }
0x7c: {  	_ =	shalt  }
0x7d: {  	_ =	shalt  }
0x7e: {  	_ =	shalt  }
0x7f: {  	_ =	shalt  }
0x80: {  	_ =	shalt  }
0x81: {  	_ =	shalt  }
0x82: {  	_ =	shalt  }
0x83: {  	_ =	shalt  }
0x84: {  	_ =	shalt  }
0x85: {  	_ =	shalt  }
0x86: {  	_ =	shalt  }
0x87: {  	_ =	shalt  }
.Lfunc_end0:
.L_simem_size_0:
called_computation_lowered:
.L_overlay_start_0:
0x88: {  	s2 =	sld [smem:$0x3FD9]  }
0x89: {  	s3 =	sld [smem:$0x3FFE];
	_ =	sdelay $0x1  }
0x8a: {  	s1 =	srdreg.scid  }
0x8b: {  	s0 =	sand.u32 $0x1, s1  }
0x8c: {  	s14 =	sshll.u32 s0, $0xA;
	s2 =	sadd.s32 s3, s2  }
0x8d: {  	s2 =	sadd.s32 s2, s14  }
0x8e: {  	[smem:$0x3FC3] =	sst s2  }
0x8f: {  	_ = 	snop  }
0x90: {  	s2 =	sld [smem:$0x3FD0];
	_ =	sdelay $0x2  }
0x91: {  	s4 =	simm.s32 $0xA;
	s5 =	simm.s32 $0x10;
	s15 =	sld [smem:$0x3FC9]  }
0x92: {  	[smem:s5], [sflag:s4] =	dma.local [hbm:s2], $0x1  }
0x93: {  	_ =	swait.eq [sflag:s4], $0x1  }
0x94: {  	[sflag:s4] =	ssyncset.done $0x0  }
0x95: {  	s16 =	sld [smem:$0x10];
	[sflag:s4] =	ssyncadd.s32 $0xFFFFFFFF  }
0x96: {  	s17 =	sld [smem:$0x11];
	(tm) =	ssettm $0x1  }
0x97: {  	s18 =	sld [smem:$0x3FFB];
	_ =	sdelay $0x3  }
0x98: {  	_ =	strace s18  }
0x99: {  	s5 =	sld [smem:$0x3FFC];
	_ =	sdelay $0x3  }
0x9a: {  	_ =	strace s5  }
0x9b: {  	s5 =	sld [smem:$0x3FFD];
	_ =	sdelay $0x3  }
0x9c: {  	_ =	strace s5  }
0x9d: {  	_ =	strace $0x8FFFFFFF  }
0x9e: {  	s19 =	sld [smem:$0x3FDB];
	_ =	sdelay $0x1  }
0x9f: {  	s6 =	simm.s32 $_scs_section_size  }
0xa0: {  	s7 =	simm.s32 $_size__tile_overlayer_lowered;
	s8 =	simm.s32 $_tile_overlayer_lowered  }
0xa1: {  	s22 =	simm.s32 $0x1BFF;
	s21 =	sshll.u32 s8, $0x1;
	s5 =	sadd.s32 s6, s19  }
0xa2: {  	s9 =	simm.s32 $0x0;
	s20 =	sshll.u32 s7, $0x1;
	s7 =	sadd.s32 s21, s5  }
0xa3: {  	[timem:s9], [sflag:s22] =	dma.local [hbm:s7], s20  }
0xa4: {  	_ =	swait.ge [sflag:s22], s20  }
0xa5: {  	s6 =	ssub.s32 $0x0, s20;
	[sflag:s22] =	ssyncset.done $0x0  }
0xa6: {  	[sflag:s22] =	ssyncadd.s32 s6;
	_ =	sdelay $0x1  }
0xa7: {  	s23 =	simm.s32 $0x1B8B  }
0xa8: {  	_ =	swait.ge [sflag:s23], $0x1  }
0xa9: {  	[sflag:s23] =	ssyncset.done $0x0  }
0xaa: {  	s25 =	simm.s32 $0x1B8E;
	s24 =	sld [smem:$0x3FFE];
	[sflag:s23] =	ssyncadd.s32 $0xFFFFFFFF  }
0xab: {  	s26 =	simm.s32 $execute0_lowered;
	[smem:$0x3FD2] =	sst s25  }
0xac: {  	s7 =	sshll.u32 s26, $0x1;
	_ =	strace $0x80000046;
	[dreg:$0x1] =	wrdreg $0xFFFFFFFF  }
0xad: {  	s28 =	simm.s32 $_size_execute0_lowered;
	s5 =	sadd.s32 s5, s7;
	[dreg:$0x0] =	wrdreg $0x0  }
0xae: {  	s7 =	sshll.u32 s28, $0x1;
	[dreg:$0x2] =	wrdreg s5  }
0xaf: {  	[dreg:$0x3] =	wrdreg s7  }
0xb0: {  	[dreg:$0x4] =	wrdreg $0xC0  }
0xb1: {  	_ =	task [dreg:s9], $0x5FFFF  }
0xb2: {  	[dreg:$0x1] =	wrdreg $0xFFFFFFFF  }
0xb3: {  	[dreg:$0x0] =	wrdreg $0x60  }
0xb4: {  	[dreg:$0x2] =	wrdreg s24  }
0xb5: {  	[dreg:$0x3] =	wrdreg s15  }
0xb6: {  	[dreg:$0x4] =	wrdreg s16  }
0xb7: {  	[dreg:$0x5] =	wrdreg s17  }
0xb8: {  	[dreg:$0x6] =	wrdreg $0x9  }
0xb9: {  	_ =	task.clear_ibuf [dreg:s9], $0x7FFFF;
	_ =	strace $0x90000046  }
0xba: {  	s29 =	simm.s32 $0x9;
	_ =	strace $0x80000048  }
0xbb: {  	_ =	swait.ge [sflag:s29], $0x1  }
0xbc: {  	[sflag:s29] =	ssyncadd.s32 $0xFFFFFFFF  }
0xbd: {  	_ =	strace $0x90000048  }
0xbe: {  	_ =	sfence  }
0xbf: {  	s30 =	sld [smem:$0x0];
	_ =	sdelay $0x2  }
0xc0: {  	s31 =	sshll.u32 s1, $0xD;
	s1 =	sshrl.u32 s1, $0x2  }
0xc1: {  	s3 =	sand.u32 $0x4000, s31;
	s1 =	sadd.s32 s1, s30  }
0xc2: {  	s0 =	sor.u32 s3, s0;
	s1 =	sshll.u32 s1, $0x11  }
0xc3: {  	s0 =	sor.u32 s1, s0  }
0xc4: {  	s0 =	sadd.s32 $0x8F2B, s0  }
0xc5: {  	[sflag:s0] =	ssyncadd.remote.s32 $0x1  }
0xc6: {  	_ =	sfence.sel $0xFFFF  }
0xc7: {  	[dreg:$0x0] =	wrdreg $0xFFFFFFFF;
	(pc) =	sbr.abs _section_cstart, $3  }
0xc8: {  	[dreg:$0x1] =	wrdreg $0xFFFFFFFF  }
0xc9: {  	_ =	task.clear_ibuf [dreg:s9], $0x2FFFF;
	_ =	strace $0x9FFFFFFF  }
0xca: {  	(tm) =	ssettm $0x7FFFFFFF  }
0xcb: {  	_ =	shalt  }
tec
execute0_lowered:
.L_overlay_start_1:
0x0: {  	(tag) =	ssettag $0x1  }
0x1: {  	s5 =	rddreg [dreg:$0x0]  }
0x2: {  	s3 =	rddreg [dreg:$0x1]  }
0x3: {  	s8 =	rddreg [dreg:$0x2]  }
0x4: {  	s1 =	srdreg.scid;
	s0 =	stileid.u32  }
0x5: {  	s11 =	rddreg [dreg:$0x3];
	s12 =	sand.u32 $0x1, s1;
	s4 =	sshll.u32 s0, $0x1  }
0x6: {  	s2 =	simm.s32 $0x0;
	s1 =	rddreg [dreg:$0x4];
	s9 =	sor.u32 s12, s4  }
0x7: {  	[smem:$0x7FF] =	sst s2;
	s4 =	sshll.u32 s9, $0x4  }
0x8: {  	_ =	strace $0x80000047;
	s7 =	sadd.s32 s3, s4;
	s3 =	simm.s32 $0x3  }
0x9: {  	[tilespmem:s2], [sflag:$0x3] =	stream.linear.gather [hbm4b:s7+s2], $0x80, $0x38;
	[tilespmem:$0xC180] =	vst v63  }
0xa: {  	s31 =	sshll.u32 s9, $0x5;
	_ =	swait.ge [sflag:s3], $0x80  }
0xb: {  	s4 =	sadd.s32 s31, s5;
	[sflag:s3] =	ssyncset.done $0x0  }
0xc: {  	s10 =	sadd.s32 $0x7C1600, s4;
	s4 =	simm.s32 $0x80;
	[sflag:s3] =	ssyncadd.s32 $0xFFFFFF80  }
0xd: {  	[tilespmem:s4], [sflag:$0x3] =	stream.linear.gather [hbm4b:s10+s2], $0x100, $0x38;
	[tilespmem:$0xC180] =	vst v63  }
0xe: {  	_ =	swait.ge [sflag:s3], $0x100  }
0xf: {  	[sflag:s3] =	ssyncset.done $0x0  }
0x10: {  	[sflag:s3] =	ssyncadd.s32 $0xFFFFFF00  }
0x11: {  	v0 =	vld [tilespmem:$0x170]  }
0x12: {  	v1 =	vld [tilespmem:$0x160]  }
0x13: {  	v3 =	vld [tilespmem:$0x30]  }
0x14: {  	v4 =	vld [tilespmem:$0x40]  }
0x15: {  	v5 =	vld [tilespmem:$0x0]  }
0x16: {  	v7 =	vld [tilespmem:$0x70];
	_ =	sdelay $0x1  }
0x17: {  	v6 =	vshrl.u32 v0, $0x2  }
0x18: {  	v0 =	vshrl.u32 v0, $0x1;
	v8 =	vshrl.u32 v1, $0x2;
	v1 =	vshrl.u32 v1, $0x1  }
0x19: {  	v2 =	vld [tilespmem:$0x20];
	v9 =	vshrl.u32 v3, $0x2;
	v11 =	vshrl.u32 v3, $0x1;
	v14 =	vshrl.u32 v4, $0x2  }
0x1a: {  	v3 =	vshrl.u32 v5, $0x2;
	v5 =	vshrl.u32 v5, $0x1;
	v13 =	vshrl.u32 v7, $0x1  }
0x1b: {  	v10 =	vld [tilespmem:$0x60];
	v6 =	vand.u32 $0x3FFFF000, v6;
	v8 =	vand.u32 $0x3FFFF000, v8;
	v1 =	vand.u32 $0xFFF, v1  }
0x1c: {  	v18 =	vld [tilespmem:$0x80];
	v0 =	vand.u32 $0xFFF, v0;
	v13 =	vand.u32 $0xFFF, v13;
	v11 =	vand.u32 $0xFFF, v11  }
0x1d: {  	v9 =	vand.u32 $0x3FFFF000, v9;
	v14 =	vand.u32 $0x3FFFF000, v14;
	v8 =	vor.u32 v1, v8  }
0x1e: {  	v16 =	vld [tilespmem:$0xD0];
	v1 =	vshrl.u32 v4, $0x1;
	v12 =	vor.u32 v0, v6;
	v6 =	vshrl.u32 v2, $0x1  }
0x1f: {  	v4 =	vld [tilespmem:$0x10];
	v2 =	vshrl.u32 v2, $0x2;
	v0 =	vand.u32 $0xFFF, v1;
	v1 =	vand.u32 $0x3FFFF000, v3  }
0x20: {  	v3 =	vand.u32 $0xFFF, v5;
	v2 =	vand.u32 $0x3FFFF000, v2;
	v5 =	vand.u32 $0xFFF, v6;
	[tilespmem:$0x160] =	vst v8  }
0x21: {  	v6 =	vshrl.u32 v7, $0x2;
	v8 =	vshrl.u32 v10, $0x1;
	[tilespmem:$0x170] =	vst v12;
	v12 =	vshrl.u32 v18, $0x1  }
0x22: {  	v15 =	vld [tilespmem:$0x50];
	v5 =	vor.u32 v5, v2;
	v2 =	vshrl.u32 v10, $0x2;
	v8 =	vand.u32 $0xFFF, v8  }
0x23: {  	s12 =	ssub.s32 $0x2, s12;
	v21 =	vand.u32 $0x3FFFF000, v2;
	v2 =	vand.u32 $0x3FFFF000, v6;
	v6 =	vshrl.u32 v16, $0x1  }
0x24: {  	s13 =	sshrl.u32 s12, $0x1;
	v17 =	vld [tilespmem:$0xC0];
	[tilespmem:$0x20] =	vst v5;
	v5 =	vshrl.u32 v18, $0x2;
	v7 =	vshrl.u32 v4, $0x2;
	v4 =	vshrl.u32 v4, $0x1  }
0x25: {  	s12 =	ssub.s32 s12, s13;
	v19 =	vld [tilespmem:$0x90];
	v6 =	vand.u32 $0xFFF, v6;
	v7 =	vand.u32 $0x3FFFF000, v7;
	v4 =	vand.u32 $0xFFF, v4  }
0x26: {  	s17 =	smax.u32 s12, $0x1;
	v5 =	vand.u32 $0x3FFFF000, v5;
	v20 =	vor.u32 v4, v7;
	v4 =	vor.u32 v11, v9;
	v11 =	vld [tilespmem:$0xA0]  }
0x27: {  	p0 =	sne.s32 s17, $0x1;
	v18 =	vor.u32 v8, v21;
	v7 =	vshrl.u32 v15, $0x1;
	v9 =	vor.u32 v13, v2;
	v2 =	vld [tilespmem:$0xB0]  }
.Ltmp0:
0x28: {  	s16 =	simm.s32 $0x1;
	v13 =	vshrl.u32 v15, $0x2;
	v15 =	vand.u32 $0xFFF, v12;
	v7 =	vand.u32 $0xFFF, v7;
	(pc) =	sbr.rel @!p0 .LBB2_2-.Ltmp0, $4  }
0x29: {  	s6 =	sadd.s32 $0x1600, s5;
	s14 =	sshll.u32 s9, $0xB;
	s15 =	sshll.u32 s9, $0xC;
	v10 =	vand.u32 $0x3FFFF000, v13;
	v13 =	vshrl.u32 v17, $0x1;
	[tilespmem:$0x10] =	vst v20;
	v5 =	vor.u32 v15, v5  }
0x2a: {  	s5 =	sadd.s32 $0x3E1600, s5;
	s9 =	sadd.s32 s8, s14;
	s8 =	sadd.s32 s11, s15;
	[tilespmem:$0x70] =	vst v9;
	v15 =	vshrl.u32 v17, $0x2;
	v9 =	vld [tilespmem:$0x120];
	v22 =	vor.u32 v7, v10;
	v10 =	vshrl.u32 v19, $0x2  }
0x2b: {  	s11 =	simm.s32 $0x4180;
	s13 =	simm.s32 $0x100;
	s15 =	simm.s32 $0x8180;
	v8 =	vld [tilespmem:$0x100];
	v7 =	vshrl.u32 v16, $0x2;
	v12 =	vand.u32 $0xFFF, v13;
	[tilespmem:$0x80] =	vst v5;
	v5 =	vshrl.u32 v19, $0x1  }
0x2c: {  	s14 =	simm.s32 $0x2;
	s12 =	simm.s32 $0x180;
	s17 =	sadd.s32 $0xFFFFFFFF, s17;
	[tilespmem:$0x50] =	vst v22;
	v13 =	vshrl.u32 v11, $0x1;
	v17 =	vshrl.u32 v11, $0x2;
	v16 =	vshrl.u32 v2, $0x2;
	v11 =	vld [tilespmem:$0x110]  }
.LBB2_1:
0x2d: {  	p0 =	sne.s32 s17, $0x1;
	s17 =	sadd.s32 $0xFFFFFFFF, s17;
	[tilespmem:$0x60] =	vst v18;
	v10 =	vand.u32 $0x3FFFF000, v10;
	v17 =	vand.u32 $0x3FFFF000, v17;
	v15 =	vand.u32 $0x3FFFF000, v15;
	v18 =	vld [tilespmem:$0xF0]  }
0x2e: {  	v13 =	vand.u32 $0xFFF, v13;
	v16 =	vand.u32 $0x3FFFF000, v16;
	v12 =	vor.u32 v12, v15;
	v15 =	vld [tilespmem:$0xE0]  }
0x2f: {  	v1 =	vor.u32 v3, v1;
	v3 =	vand.u32 $0x3FFFF000, v7;
	[tilespmem:$0xC0] =	vst v12;
	v7 =	vshrl.u32 v9, $0x1  }
0x30: {  	v0 =	vor.u32 v0, v14;
	[tilespmem:$0x0] =	vst v1;
	v1 =	vor.u32 v6, v3;
	v3 =	vand.u32 $0xFFF, v7  }
0x31: {  	v6 =	vshrl.u32 v11, $0x2;
	v7 =	vshrl.u32 v9, $0x2;
	[tilespmem:$0x30] =	vst v4;
	v4 =	vor.u32 v13, v17  }
0x32: {  	v2 =	vshrl.u32 v2, $0x1;
	v9 =	vshrl.u32 v11, $0x1;
	[tilespmem:$0xA0] =	vst v4;
	v4 =	vshrl.u32 v18, $0x2  }
0x33: {  	v9 =	vand.u32 $0xFFF, v9;
	[tilespmem:$0x40] =	vst v0;
	v0 =	vand.u32 $0xFFF, v2;
	v2 =	vshrl.u32 v15, $0x2;
	v11 =	vld [tilespmem:$0x140]  }
0x34: {  	v0 =	vor.u32 v0, v16;
	[tilespmem:$0xD0] =	vst v1;
	v1 =	vand.u32 $0x3FFFF000, v4;
	v4 =	vshrl.u32 v8, $0x2;
	v12 =	vld [tilespmem:$0x130]  }
0x35: {  	v8 =	vshrl.u32 v8, $0x1;
	[tilespmem:$0xB0] =	vst v0;
	v0 =	vand.u32 $0x3FFFF000, v2;
	v2 =	vshrl.u32 v15, $0x1  }
0x36: {  	v4 =	vand.u32 $0x3FFFF000, v4;
	v8 =	vand.u32 $0xFFF, v8;
	v2 =	vand.u32 $0xFFF, v2  }
0x37: {  	v6 =	vand.u32 $0x3FFFF000, v6;
	v0 =	vor.u32 v2, v0;
	v2 =	vshrl.u32 v18, $0x1;
	v13 =	vld [tilespmem:$0x150]  }
0x38: {  	[tilespmem:$0xE0] =	vst v0;
	v0 =	vor.u32 v8, v4;
	v4 =	vor.u32 v9, v6;
	v6 =	vshrl.u32 v11, $0x1  }
0x39: {  	v2 =	vand.u32 $0xFFF, v2;
	[tilespmem:$0x100] =	vst v0;
	v0 =	vand.u32 $0x3FFFF000, v7;
	v6 =	vand.u32 $0xFFF, v6  }
0x3a: {  	v5 =	vand.u32 $0xFFF, v5;
	[tilespmem:$0x110] =	vst v4;
	v0 =	vor.u32 v3, v0;
	v3 =	vshrl.u32 v11, $0x2  }
0x3b: {  	v4 =	vor.u32 v5, v10;
	[tilespmem:$0x120] =	vst v0;
	v0 =	vshrl.u32 v12, $0x1;
	v3 =	vand.u32 $0x3FFFF000, v3  }
0x3c: {  	v1 =	vor.u32 v2, v1;
	v2 =	vshrl.u32 v12, $0x2;
	[tilespmem:$0x90] =	vst v4;
	v0 =	vand.u32 $0xFFF, v0  }
0x3d: {  	v3 =	vor.u32 v6, v3;
	v4 =	vshrl.u32 v13, $0x2;
	v5 =	vshrl.u32 v13, $0x1  }
0x3e: {  	[tilespmem:$0xF0] =	vst v1;
	v1 =	vand.u32 $0x3FFFF000, v2;
	v2 =	vand.u32 $0x3FFFF000, v4;
	v4 =	vand.u32 $0xFFF, v5  }
0x3f: {  	v0 =	vor.u32 v0, v1;
	[tilespmem:$0x140] =	vst v3;
	v1 =	vor.u32 v4, v2  }
0x40: {  	[tilespmem:$0x130] =	vst v0  }
0x41: {  	[tilespmem:$0x150] =	vst v1  }
0x42: {  	[tilespmem:s12], [sflag:$0x1] =	stream.indirect.gather [hbm4b:s6+s4], $0x80, s2, s4, $0xb8;
	[tilespmem:$0xC180] =	vst v63  }
0x43: {  	_ = 	snop  }
0x44: {  	[tilespmem:s11], [sflag:$0x2] =	stream.indirect.gather [hbm4b:s5+s4], $0x80, s4, s4, $0xb8;
	[tilespmem:$0xC180] =	vst v63  }
0x45: {  	_ = 	snop  }
0x46: {  	[tilespmem:s15], [sflag:$0x2] =	stream.indirect.gather [hbm4b:s5+s4], $0x80, s13, s4, $0xb8;
	[tilespmem:$0xC180] =	vst v63  }
0x47: {  	_ =	swait.ge [sflag:s16], $0x4000  }
0x48: {  	[sflag:s16] =	ssyncset.done $0x0  }
0x49: {  	[sflag:s16] =	ssyncadd.s32 $0xFFFFC000  }
0x4a: {  	[hbm4b:s9+s2] =	stream.linear.scatter [tilespmem:s12], [sflag:$0x3], $0x4000, $0x38;
	[tilespmem:$0xC180] =	vst v63  }
0x4b: {  	_ =	swait.ge [sflag:s3], $0x4000  }
0x4c: {  	[sflag:s3] =	ssyncset.done $0x0  }
0x4d: {  	[sflag:s3] =	ssyncadd.s32 $0xFFFFC000  }
0x4e: {  	_ =	swait.ge [sflag:s14], $0x8000  }
0x4f: {  	[sflag:s14] =	ssyncset.done $0x0  }
0x50: {  	[sflag:s14] =	ssyncadd.s32 $0xFFFF8000  }
0x51: {  	[hbm4b:s8+s2] =	stream.linear.scatter [tilespmem:s11], [sflag:$0x3], $0x8000, $0x38;
	[tilespmem:$0xC180] =	vst v63  }
0x52: {  	_ =	swait.ge [sflag:s3], $0x8000  }
0x53: {  	[sflag:s3] =	ssyncset.done $0x0  }
0x54: {  	[sflag:s3] =	ssyncadd.s32 $0xFFFF8000  }
0x55: {  	[tilespmem:s2], [sflag:$0x3] =	stream.linear.gather [hbm4b:s7+s2], $0x80, $0x38;
	[tilespmem:$0xC180] =	vst v63  }
0x56: {  	_ =	swait.ge [sflag:s3], $0x80  }
0x57: {  	[sflag:s3] =	ssyncset.done $0x0  }
0x58: {  	[sflag:s3] =	ssyncadd.s32 $0xFFFFFF80  }
0x59: {  	[tilespmem:s4], [sflag:$0x3] =	stream.linear.gather [hbm4b:s10+s2], $0x100, $0x38;
	[tilespmem:$0xC180] =	vst v63  }
0x5a: {  	_ =	swait.ge [sflag:s3], $0x100  }
0x5b: {  	[sflag:s3] =	ssyncset.done $0x0  }
0x5c: {  	[sflag:s3] =	ssyncadd.s32 $0xFFFFFF00  }
0x5d: {  	v0 =	vld [tilespmem:$0x170]  }
0x5e: {  	v1 =	vld [tilespmem:$0x160]  }
0x5f: {  	v2 =	vld [tilespmem:$0x20]  }
0x60: {  	v3 =	vld [tilespmem:$0x30]  }
0x61: {  	v4 =	vld [tilespmem:$0x40]  }
0x62: {  	v5 =	vld [tilespmem:$0x0];
	v6 =	vshrl.u32 v0, $0x2;
	v0 =	vshrl.u32 v0, $0x1  }
0x63: {  	v7 =	vld [tilespmem:$0x70];
	v8 =	vshrl.u32 v1, $0x2;
	v1 =	vshrl.u32 v1, $0x1;
	v6 =	vand.u32 $0x3FFFF000, v6  }
0x64: {  	v9 =	vld [tilespmem:$0x60];
	v8 =	vand.u32 $0x3FFFF000, v8;
	v1 =	vand.u32 $0xFFF, v1  }
0x65: {  	v0 =	vand.u32 $0xFFF, v0;
	v10 =	vshrl.u32 v3, $0x2;
	v11 =	vld [tilespmem:$0x50];
	v1 =	vor.u32 v1, v8  }
0x66: {  	v12 =	vshrl.u32 v3, $0x1;
	v8 =	vld [tilespmem:$0x10];
	v14 =	vshrl.u32 v4, $0x2;
	v3 =	vshrl.u32 v4, $0x1;
	[tilespmem:$0x160] =	vst v1  }
0x67: {  	v6 =	vor.u32 v0, v6;
	v1 =	vshrl.u32 v5, $0x2;
	v4 =	vshrl.u32 v5, $0x1;
	v5 =	vld [tilespmem:$0xD0]  }
0x68: {  	v13 =	vshrl.u32 v2, $0x1;
	v0 =	vand.u32 $0xFFF, v3;
	v3 =	vshrl.u32 v7, $0x1;
	v15 =	vld [tilespmem:$0xC0];
	[tilespmem:$0x170] =	vst v6  }
0x69: {  	v1 =	vand.u32 $0x3FFFF000, v1;
	v6 =	vshrl.u32 v2, $0x2;
	v16 =	vand.u32 $0xFFF, v3;
	v2 =	vld [tilespmem:$0xB0]  }
0x6a: {  	v3 =	vand.u32 $0xFFF, v4;
	v4 =	vand.u32 $0x3FFFF000, v6;
	v6 =	vand.u32 $0xFFF, v13;
	v17 =	vld [tilespmem:$0xA0]  }
0x6b: {  	v7 =	vshrl.u32 v7, $0x2;
	v4 =	vor.u32 v6, v4;
	v6 =	vshrl.u32 v9, $0x2;
	v19 =	vld [tilespmem:$0x90]  }
0x6c: {  	v13 =	vshrl.u32 v8, $0x2;
	v8 =	vshrl.u32 v8, $0x1;
	[tilespmem:$0x20] =	vst v4;
	v4 =	vand.u32 $0xFFF, v12;
	v12 =	vld [tilespmem:$0x80]  }
0x6d: {  	v10 =	vand.u32 $0x3FFFF000, v10;
	v13 =	vand.u32 $0x3FFFF000, v13;
	v8 =	vand.u32 $0xFFF, v8  }
0x6e: {  	v8 =	vor.u32 v8, v13;
	v4 =	vor.u32 v4, v10;
	v10 =	vshrl.u32 v11, $0x1  }
0x6f: {  	v18 =	vand.u32 $0x3FFFF000, v6;
	v6 =	vshrl.u32 v5, $0x1;
	[tilespmem:$0x10] =	vst v8;
	v8 =	vand.u32 $0xFFF, v10  }
0x70: {  	v7 =	vand.u32 $0x3FFFF000, v7;
	v10 =	vshrl.u32 v11, $0x2;
	v11 =	vshrl.u32 v9, $0x1  }
0x71: {  	v13 =	vor.u32 v16, v7;
	v6 =	vand.u32 $0xFFF, v6;
	v9 =	vand.u32 $0x3FFFF000, v10  }
0x72: {  	v7 =	vshrl.u32 v5, $0x2;
	v10 =	vshrl.u32 v19, $0x2;
	v8 =	vor.u32 v8, v9  }
.Ltmp1:
0x73: {  	v5 =	vshrl.u32 v12, $0x2;
	v9 =	vshrl.u32 v12, $0x1;
	v12 =	vshrl.u32 v15, $0x1;
	[tilespmem:$0x70] =	vst v13;
	(pc) =	sbr.rel @p0 .LBB2_1-.Ltmp1, $4  }
0x74: {  	v5 =	vand.u32 $0x3FFFF000, v5;
	v12 =	vand.u32 $0xFFF, v12;
	[tilespmem:$0x50] =	vst v8;
	v8 =	vand.u32 $0xFFF, v9  }
0x75: {  	v15 =	vshrl.u32 v15, $0x2;
	v13 =	vshrl.u32 v17, $0x1;
	v5 =	vor.u32 v8, v5;
	v9 =	vld [tilespmem:$0x120]  }
0x76: {  	v16 =	vshrl.u32 v2, $0x2;
	v17 =	vshrl.u32 v17, $0x2;
	v8 =	vand.u32 $0xFFF, v11;
	[tilespmem:$0x80] =	vst v5;
	v11 =	vld [tilespmem:$0x110]  }
0x77: {  	v14 =	vand.u32 $0x3FFFF000, v14;
	v18 =	vor.u32 v8, v18;
	v5 =	vshrl.u32 v19, $0x1;
	v8 =	vld [tilespmem:$0x100]  }
.LBB2_2:
0x78: {  	v15 =	vand.u32 $0x3FFFF000, v15  }
0x79: {  	v10 =	vand.u32 $0x3FFFF000, v10;
	v17 =	vand.u32 $0x3FFFF000, v17;
	v13 =	vand.u32 $0xFFF, v13  }
0x7a: {  	v16 =	vand.u32 $0x3FFFF000, v16;
	v1 =	vor.u32 v3, v1;
	v7 =	vand.u32 $0x3FFFF000, v7  }
0x7b: {  	v33 =	vld [tilespmem:$0xF0];
	v0 =	vor.u32 v0, v14;
	v2 =	vshrl.u32 v2, $0x1;
	v5 =	vand.u32 $0xFFF, v5  }
0x7c: {  	v34 =	vld [tilespmem:$0xE0];
	[tilespmem:$0x60] =	vst v18;
	v12 =	vor.u32 v12, v15;
	v6 =	vor.u32 v6, v7;
	v13 =	vor.u32 v13, v17  }
0x7d: {  	[tilespmem:$0x30] =	vst v4;
	v2 =	vand.u32 $0xFFF, v2;
	v5 =	vor.u32 v5, v10;
	v35 =	vshrl.u32 v9, $0x1  }
0x7e: {  	v42 =	vld [tilespmem:$0x140];
	[tilespmem:$0x0] =	vst v1;
	v38 =	vshrl.u32 v9, $0x2;
	v2 =	vor.u32 v2, v16;
	v36 =	vand.u32 $0xFFF, v35  }
0x7f: {  	v46 =	vld [tilespmem:$0x130];
	[tilespmem:$0x40] =	vst v0;
	v53 =	vand.u32 $0x3FFFF000, v38;
	v37 =	vshrl.u32 v11, $0x2;
	v40 =	vshrl.u32 v11, $0x1  }
0x80: {  	v50 =	vld [tilespmem:$0x150];
	[tilespmem:$0xC0] =	vst v12;
	v43 =	vshrl.u32 v8, $0x2;
	v45 =	vshrl.u32 v8, $0x1;
	v54 =	vor.u32 v36, v53  }
0x81: {  	[tilespmem:$0xA0] =	vst v13;
	v39 =	vshrl.u32 v33, $0x2;
	v41 =	vshrl.u32 v34, $0x2;
	v11 =	vand.u32 $0xFFF, v40  }
0x82: {  	[tilespmem:$0xD0] =	vst v6;
	v3 =	vshrl.u32 v34, $0x1;
	v47 =	vand.u32 $0x3FFFF000, v43;
	v4 =	vand.u32 $0xFFF, v45  }
0x83: {  	[tilespmem:$0x90] =	vst v5;
	v48 =	vshrl.u32 v33, $0x1;
	v49 =	vand.u32 $0x3FFFF000, v37;
	v52 =	vshrl.u32 v42, $0x1  }
0x84: {  	[tilespmem:$0xB0] =	vst v2;
	v55 =	vshrl.u32 v42, $0x2;
	v56 =	vshrl.u32 v46, $0x1;
	v57 =	vshrl.u32 v46, $0x2  }
0x85: {  	[tilespmem:$0x120] =	vst v54;
	v58 =	vshrl.u32 v50, $0x2;
	v59 =	vshrl.u32 v50, $0x1;
	v4 =	vor.u32 v4, v47  }
0x86: {  	v44 =	vand.u32 $0x3FFFF000, v41;
	v3 =	vand.u32 $0xFFF, v3;
	v51 =	vor.u32 v11, v49;
	[tilespmem:$0x100] =	vst v4  }
0x87: {  	v1 =	vand.u32 $0x3FFFF000, v39;
	v2 =	vand.u32 $0xFFF, v48;
	v0 =	vor.u32 v3, v44;
	[tilespmem:$0x110] =	vst v51  }
0x88: {  	v61 =	vand.u32 $0x3FFFF000, v58;
	v62 =	vand.u32 $0xFFF, v59;
	v1 =	vor.u32 v2, v1;
	[tilespmem:$0xE0] =	vst v0  }
0x89: {  	v3 =	vand.u32 $0xFFF, v52;
	v4 =	vand.u32 $0x3FFFF000, v55;
	v63 =	vor.u32 v62, v61;
	[tilespmem:$0xF0] =	vst v1  }
0x8a: {  	v60 =	vand.u32 $0x3FFFF000, v57;
	v0 =	vand.u32 $0xFFF, v56;
	v3 =	vor.u32 v3, v4;
	[tilespmem:$0x150] =	vst v63  }
0x8b: {  	v0 =	vor.u32 v0, v60;
	[tilespmem:$0x140] =	vst v3  }
0x8c: {  	[tilespmem:$0x130] =	vst v0  }
0x8d: {  	[tilespmem:s12], [sflag:$0x1] =	stream.indirect.gather [hbm4b:s6+s4], $0x80, s2, s4, $0xb8;
	[tilespmem:$0xC180] =	vst v63  }
0x8e: {  	_ = 	snop  }
0x8f: {  	[tilespmem:s11], [sflag:$0x2] =	stream.indirect.gather [hbm4b:s5+s4], $0x80, s4, s4, $0xb8;
	[tilespmem:$0xC180] =	vst v63  }
0x90: {  	_ = 	snop  }
0x91: {  	[tilespmem:s15], [sflag:$0x2] =	stream.indirect.gather [hbm4b:s5+s4], $0x80, s13, s4, $0xb8;
	[tilespmem:$0xC180] =	vst v63  }
0x92: {  	_ =	swait.ge [sflag:s16], $0x4000  }
0x93: {  	[sflag:s16] =	ssyncset.done $0x0  }
0x94: {  	[sflag:s16] =	ssyncadd.s32 $0xFFFFC000  }
0x95: {  	[hbm4b:s9+s2] =	stream.linear.scatter [tilespmem:s12], [sflag:$0x3], $0x4000, $0x38;
	[tilespmem:$0xC180] =	vst v63  }
0x96: {  	_ =	swait.ge [sflag:s3], $0x4000  }
0x97: {  	[sflag:s3] =	ssyncset.done $0x0  }
0x98: {  	[sflag:s3] =	ssyncadd.s32 $0xFFFFC000  }
0x99: {  	_ =	swait.ge [sflag:s14], $0x8000  }
0x9a: {  	[sflag:s14] =	ssyncset.done $0x0  }
0x9b: {  	[sflag:s14] =	ssyncadd.s32 $0xFFFF8000  }
0x9c: {  	[hbm4b:s8+s2] =	stream.linear.scatter [tilespmem:s11], [sflag:$0x3], $0x8000, $0x38;
	[tilespmem:$0xC180] =	vst v63  }
0x9d: {  	_ =	swait.ge [sflag:s3], $0x8000  }
0x9e: {  	[sflag:s3] =	ssyncset.done $0x0  }
0x9f: {  	[sflag:s3] =	ssyncadd.s32 $0xFFFF8000  }
0xa0: {  	_ =	sfence.sel $0x180000  }
0xa1: {  	[bflag:$0x0] =	sbarrier.arrive $0xFFFF  }
0xa2: {  	p0 =	sne.s32 s0, $0x0;
	_ =	strace $0x90000047  }
0xa3: {  	s0 =	sadd.s32 @!p0 $0x100000, s1;
	[bflag:$0x2] =	sbarrier.arrive $0xFFFF  }
0xa4: {  	[sflag:s0] =	ssyncadd.tile.s32 @!p0 $0x1;
	_ =	shalt  }
.Lfunc_end2:
_tile_overlayer_lowered:
.L_overlay_start_2:
0xa5: {  	(tag) =	ssettag $0x2  }
0xa6: {  	s0 =	rddreg [dreg:$0x0];
	s2 =	stileid.u32  }
0xa7: {  	s1 =	rddreg [dreg:$0x1];
	p0 =	sne.s32 s2, $0x0  }
0xa8: {  	s3 =	rddreg [dreg:$0x2];
	[bflag:$0x3] =	sbarrier.arrive $0xFFFF;
	s2 =	simm.s32 @!p0 $0x1C03  }
0xa9: {  	[timem:s3], [sflag:s2] =	dma.local @!p0 [hbm:s0], s1  }
0xaa: {  	s0 =	simm.s32 @!p0 $0x3  }
0xab: {  	_ =	swait.ge @!p0 [sflag:s0], s1  }
0xac: {  	s1 =	ssub.s32 @!p0 $0x0, s1;
	[sflag:s0] =	ssyncset.done @!p0 $0x0  }
0xad: {  	[sflag:s0] =	ssyncadd.s32 @!p0 s1  }
0xae: {  	[bflag:$0x3] =	sbarrier.arrive $0xFFFF  }
0xaf: {  	_ =	shalt  }

</sc_bundles>
